<compile_context>
chip_gen: v7x
topology: tpu7x:2x2x1
jax: 0.10.2.dev20260603
libtpu: 0.0.44.dev20260713+nightly
codegen_flags: <defaults>
</compile_context>

<pallas_src>
import jax
import jax.numpy as jnp
from jax import lax
from jax.experimental import pallas as pl
from jax.experimental.pallas import tpu as pltpu
from jax.experimental.pallas import tpu_sc as plsc

B = 16384
F = 26
FIELD_SIZE = 40000
TABLE = F * FIELD_SIZE
NUM_WORKERS = 32
BPW = B // NUM_WORKERS
CHUNK = BPW * F
NVEC = BPW // 16
NSUB = 16
WSLICE = TABLE // NSUB


def _sc_body(xt_hbm, wt_hbm, b_hbm, out_hbm,
             w_sh, idx_v, g_v, o_v, z_v, b_v, sem, wsem):
  cid = lax.axis_index("c")
  sid = lax.axis_index("s")
  wid = sid * 2 + cid
  base = wid * BPW

  w_cp = pltpu.async_copy(
      wt_hbm.at[0, pl.ds(sid * WSLICE, WSLICE)],
      w_sh.at[pl.ds(sid * WSLICE, WSLICE)],
      wsem,
  )

  id_cps = [
      pltpu.async_copy(
          xt_hbm.at[f, pl.ds(base, BPW)],
          idx_v.at[pl.ds(f * BPW, BPW)],
          sem,
      )
      for f in range(F)
  ]
  for cp in id_cps:
    cp.wait()

  iota = lax.iota(jnp.int32, 16)

  def add_off(f, _):
    off = f * FIELD_SIZE
    for v in range(NVEC):
      p0 = f * BPW + v * 16
      idx_v[pl.ds(p0, 16)] = idx_v[pl.ds(p0, 16)] + off
    return 0

  lax.fori_loop(0, F, add_off, 0, unroll=False)

  z_v[pl.ds(0, 16)] = iota * 0
  pltpu.async_copy(b_hbm.at[z_v.at[pl.ds(0, 16)]], b_v, sem).wait()
  bias_v = b_v[pl.ds(0, 16)]

  w_cp.wait()
  plsc.subcore_barrier()
  pltpu.async_copy(w_sh.at[idx_v], g_v, sem).wait()

  def reduce_vec(v, _):
    p0 = v * 16
    acc = bias_v + g_v[pl.ds(p0, 16)]
    for f in range(1, F):
      acc = acc + g_v[pl.ds(f * BPW + p0, 16)]
    o_v[pl.ds(p0, 16)] = acc
    return 0

  lax.fori_loop(0, NVEC, reduce_vec, 0, unroll=False)

  pltpu.sync_copy(o_v.at[pl.ds(0, BPW)], out_hbm.at[pl.ds(base, BPW)])


@jax.jit
def _sc_lookup(xt, wt, bias):
  mesh = plsc.VectorSubcoreMesh(
      core_axis_name="c", subcore_axis_name="s", num_cores=2, num_subcores=16
  )
  return pl.kernel(
      _sc_body,
      out_type=jax.ShapeDtypeStruct((B,), jnp.float32),
      mesh=mesh,
      compiler_params=pltpu.CompilerParams(use_tc_tiling_on_sc=False),
      scratch_types=[
          pltpu.VMEM_SHARED((TABLE,), jnp.float32),
          pltpu.VMEM((CHUNK,), jnp.int32),
          pltpu.VMEM((CHUNK,), jnp.float32),
          pltpu.VMEM((BPW,), jnp.float32),
          pltpu.VMEM((16,), jnp.int32),
          pltpu.VMEM((16,), jnp.float32),
          pltpu.SemaphoreType.DMA,
          pltpu.SemaphoreType.DMA,
      ],
  )(xt, wt, bias)


def kernel(x, fc_weight, bias):
  return _sc_lookup(x.T, fc_weight.T, bias)[:, None]

# --- scband reference (transcript-rebuilt; emitter-appended) ---
"""Pipeline reference for scband-features-linear-86517821214530 (READ-ONLY COPY).

The authoritative reference and input builder live on the scoring server;
editing this copy changes nothing except your own understanding.
"""

import jax, jax.numpy as jnp
import numpy as np

FIELD_DIMS = [40000] * 26
OUTPUT_DIM = 1
TOTAL_VOCAB = sum(FIELD_DIMS)


def setup_inputs(seed: int = 0) -> dict:
    key = jax.random.key(seed)
    k1, k2 = jax.random.split(key)
    x = jax.random.randint(k1, (16384, 26), 0, 40000, dtype=jnp.int64 if jax.config.jax_enable_x64 else jnp.int32).astype(jnp.int32)
    fc_weight = jax.random.normal(k2, (TOTAL_VOCAB, OUTPUT_DIM), dtype=jnp.float32) * 0.01
    bias = jnp.zeros((OUTPUT_DIM,), dtype=jnp.float32)
    return {"x": x, "fc_weight": fc_weight, "bias": bias}


def reference(x, fc_weight, bias):
    # offsets: cumulative start index of each field within the fused table
    offsets = jnp.asarray(np.array((0, *np.cumsum(FIELD_DIMS)[:-1]), dtype=np.int64), dtype=x.dtype)
    idx = x + offsets[None, :]                      # [B, F]
    emb = jnp.take(fc_weight, idx, axis=0)          # [B, F, output_dim] gather
    out = jnp.sum(emb, axis=1) + bias               # [B, output_dim]
    return out

if __name__ == "__main__":
    import jax
    _d = setup_inputs()
    print(jax.jit(kernel)(*tuple(_d.values())))

</pallas_src>

<mosaic_0001>
#map = affine_map<(d0, d1) -> (0, 0)>
#map1 = affine_map<(d0, d1) -> (0)>
module attributes {stable_mosaic.version = 14 : i64} {
  func.func @_sc_body(%arg0: i32, %arg1: i32, %arg2: memref<26x16384xi32, #tpu.memory_space<hbm>>, %arg3: memref<1x1040000xf32, #tpu.memory_space<hbm>>, %arg4: memref<1xf32, #tpu.memory_space<hbm>>, %arg5: memref<16384xf32, #tpu.memory_space<hbm>>, %arg6: memref<1040000xf32, #tpu.memory_space<vmem_shared>>, %arg7: memref<13312xi32, #tpu.memory_space<vmem>>, %arg8: memref<13312xf32, #tpu.memory_space<vmem>>, %arg9: memref<512xf32, #tpu.memory_space<vmem>>, %arg10: memref<16xi32, #tpu.memory_space<vmem>>, %arg11: memref<16xf32, #tpu.memory_space<vmem>>, %arg12: memref<!tpu.dma_semaphore, #tpu.memory_space<semaphore_mem>>, %arg13: memref<!tpu.dma_semaphore, #tpu.memory_space<semaphore_mem>>) attributes {dimension_semantics = [#tpu.dimension_semantics<core_parallel>, #tpu.dimension_semantics<subcore_parallel>], iteration_bounds = array<i64: 2, 16>, scalar_prefetch = 0 : i64, scratch_operands = 8 : i64, tpu.core_type = #tpu.core_type<sc_vector_subcore>, window_params = [{transform_indices = #map}, {transform_indices = #map}, {transform_indices = #map1}, {transform_indices = #map1}]} {
    %mul3A = arith.constant 2 : i32
    %mul3A_0 = arith.muli %arg1, %mul3A : i32
    %add3A = arith.addi %mul3A_0, %arg0 : i32
    %mul3A_1 = arith.constant 512 : i32
    %mul3A_2 = arith.muli %add3A, %mul3A_1 : i32
    %mul3A_3 = arith.constant 65000 : i32
    %mul3A_4 = arith.muli %arg1, %mul3A_3 : i32
    %mul3A_5 = arith.constant 65000 : i32
    %mul3A_6 = arith.muli %arg1, %mul3A_5 : i32
    %dma_start3A = arith.constant 0 : i32
    %dma_start3A_7 = tpu.memref_slice %arg6[%mul3A_6] : memref<1040000xf32, #tpu.memory_space<vmem_shared>> -> memref<65000xf32, #tpu.memory_space<vmem_shared>>
    %dma_start3A_8 = tpu.memref_slice %arg3[%dma_start3A, %mul3A_4] : memref<1x1040000xf32, #tpu.memory_space<hbm>> -> memref<1x65000xf32, #tpu.memory_space<hbm>>
    %dma_start3A_9 = tpu.memref_squeeze %dma_start3A_8 : memref<1x65000xf32, #tpu.memory_space<hbm>> -> memref<65000xf32, #tpu.memory_space<hbm>>
    tpu.enqueue_dma source(%dma_start3A_9 : memref<65000xf32, #tpu.memory_space<hbm>>) target(%dma_start3A_7 : memref<65000xf32, #tpu.memory_space<vmem_shared>>) target_semaphore(%arg13 : memref<!tpu.dma_semaphore, #tpu.memory_space<semaphore_mem>>)
    %dma_start3A_10 = arith.constant 0 : i32
    %dma_start3A_11 = arith.constant 0 : i32
    %dma_start3A_12 = tpu.memref_slice %arg7[%dma_start3A_11] : memref<13312xi32, #tpu.memory_space<vmem>> -> memref<512xi32, #tpu.memory_space<vmem>>
    %dma_start3A_13 = tpu.memref_slice %arg2[%dma_start3A_10, %mul3A_2] : memref<26x16384xi32, #tpu.memory_space<hbm>> -> memref<1x512xi32, #tpu.memory_space<hbm>>
    %dma_start3A_14 = tpu.memref_squeeze %dma_start3A_13 : memref<1x512xi32, #tpu.memory_space<hbm>> -> memref<512xi32, #tpu.memory_space<hbm>>
    %dma_start3A_15 = arith.constant 0 : i32
    %dma_start3A_16 = tpu.memref_slice %arg7[%dma_start3A_15] : memref<13312xi32, #tpu.memory_space<vmem>> -> memref<512xi32, #tpu.memory_space<vmem>>
    %dma_start3A_17 = tpu.memref_slice %arg2[%dma_start3A_10, %mul3A_2] : memref<26x16384xi32, #tpu.memory_space<hbm>> -> memref<1x512xi32, #tpu.memory_space<hbm>>
    %dma_start3A_18 = tpu.memref_squeeze %dma_start3A_17 : memref<1x512xi32, #tpu.memory_space<hbm>> -> memref<512xi32, #tpu.memory_space<hbm>>
    tpu.enqueue_dma source(%dma_start3A_18 : memref<512xi32, #tpu.memory_space<hbm>>) target(%dma_start3A_16 : memref<512xi32, #tpu.memory_space<vmem>>) target_semaphore(%arg12 : memref<!tpu.dma_semaphore, #tpu.memory_space<semaphore_mem>>)
    %dma_start3A_19 = arith.constant 1 : i32
    %dma_start3A_20 = arith.constant 512 : i32
    %dma_start3A_21 = tpu.memref_slice %arg7[%dma_start3A_20] : memref<13312xi32, #tpu.memory_space<vmem>> -> memref<512xi32, #tpu.memory_space<vmem>>
    %dma_start3A_22 = tpu.memref_slice %arg2[%dma_start3A_19, %mul3A_2] : memref<26x16384xi32, #tpu.memory_space<hbm>> -> memref<1x512xi32, #tpu.memory_space<hbm>>
    %dma_start3A_23 = tpu.memref_squeeze %dma_start3A_22 : memref<1x512xi32, #tpu.memory_space<hbm>> -> memref<512xi32, #tpu.memory_space<hbm>>
    %dma_start3A_24 = arith.constant 512 : i32
    %dma_start3A_25 = tpu.memref_slice %arg7[%dma_start3A_24] : memref<13312xi32, #tpu.memory_space<vmem>> -> memref<512xi32, #tpu.memory_space<vmem>>
    %dma_start3A_26 = tpu.memref_slice %arg2[%dma_start3A_19, %mul3A_2] : memref<26x16384xi32, #tpu.memory_space<hbm>> -> memref<1x512xi32, #tpu.memory_space<hbm>>
    %dma_start3A_27 = tpu.memref_squeeze %dma_start3A_26 : memref<1x512xi32, #tpu.memory_space<hbm>> -> memref<512xi32, #tpu.memory_space<hbm>>
    tpu.enqueue_dma source(%dma_start3A_27 : memref<512xi32, #tpu.memory_space<hbm>>) target(%dma_start3A_25 : memref<512xi32, #tpu.memory_space<vmem>>) target_semaphore(%arg12 : memref<!tpu.dma_semaphore, #tpu.memory_space<semaphore_mem>>)
    %dma_start3A_28 = arith.constant 2 : i32
    %dma_start3A_29 = arith.constant 1024 : i32
    %dma_start3A_30 = tpu.memref_slice %arg7[%dma_start3A_29] : memref<13312xi32, #tpu.memory_space<vmem>> -> memref<512xi32, #tpu.memory_space<vmem>>
    %dma_start3A_31 = tpu.memref_slice %arg2[%dma_start3A_28, %mul3A_2] : memref<26x16384xi32, #tpu.memory_space<hbm>> -> memref<1x512xi32, #tpu.memory_space<hbm>>
    %dma_start3A_32 = tpu.memref_squeeze %dma_start3A_31 : memref<1x512xi32, #tpu.memory_space<hbm>> -> memref<512xi32, #tpu.memory_space<hbm>>
    %dma_start3A_33 = arith.constant 1024 : i32
    %dma_start3A_34 = tpu.memref_slice %arg7[%dma_start3A_33] : memref<13312xi32, #tpu.memory_space<vmem>> -> memref<512xi32, #tpu.memory_space<vmem>>
    %dma_start3A_35 = tpu.memref_slice %arg2[%dma_start3A_28, %mul3A_2] : memref<26x16384xi32, #tpu.memory_space<hbm>> -> memref<1x512xi32, #tpu.memory_space<hbm>>
    %dma_start3A_36 = tpu.memref_squeeze %dma_start3A_35 : memref<1x512xi32, #tpu.memory_space<hbm>> -> memref<512xi32, #tpu.memory_space<hbm>>
    tpu.enqueue_dma source(%dma_start3A_36 : memref<512xi32, #tpu.memory_space<hbm>>) target(%dma_start3A_34 : memref<512xi32, #tpu.memory_space<vmem>>) target_semaphore(%arg12 : memref<!tpu.dma_semaphore, #tpu.memory_space<semaphore_mem>>)
    %dma_start3A_37 = arith.constant 3 : i32
    %dma_start3A_38 = arith.constant 1536 : i32
    %dma_start3A_39 = tpu.memref_slice %arg7[%dma_start3A_38] : memref<13312xi32, #tpu.memory_space<vmem>> -> memref<512xi32, #tpu.memory_space<vmem>>
    %dma_start3A_40 = tpu.memref_slice %arg2[%dma_start3A_37, %mul3A_2] : memref<26x16384xi32, #tpu.memory_space<hbm>> -> memref<1x512xi32, #tpu.memory_space<hbm>>
    %dma_start3A_41 = tpu.memref_squeeze %dma_start3A_40 : memref<1x512xi32, #tpu.memory_space<hbm>> -> memref<512xi32, #tpu.memory_space<hbm>>
    %dma_start3A_42 = arith.constant 1536 : i32
    %dma_start3A_43 = tpu.memref_slice %arg7[%dma_start3A_42] : memref<13312xi32, #tpu.memory_space<vmem>> -> memref<512xi32, #tpu.memory_space<vmem>>
    %dma_start3A_44 = tpu.memref_slice %arg2[%dma_start3A_37, %mul3A_2] : memref<26x16384xi32, #tpu.memory_space<hbm>> -> memref<1x512xi32, #tpu.memory_space<hbm>>
    %dma_start3A_45 = tpu.memref_squeeze %dma_start3A_44 : memref<1x512xi32, #tpu.memory_space<hbm>> -> memref<512xi32, #tpu.memory_space<hbm>>
    tpu.enqueue_dma source(%dma_start3A_45 : memref<512xi32, #tpu.memory_space<hbm>>) target(%dma_start3A_43 : memref<512xi32, #tpu.memory_space<vmem>>) target_semaphore(%arg12 : memref<!tpu.dma_semaphore, #tpu.memory_space<semaphore_mem>>)
    %dma_start3A_46 = arith.constant 4 : i32
    %dma_start3A_47 = arith.constant 2048 : i32
    %dma_start3A_48 = tpu.memref_slice %arg7[%dma_start3A_47] : memref<13312xi32, #tpu.memory_space<vmem>> -> memref<512xi32, #tpu.memory_space<vmem>>
    %dma_start3A_49 = tpu.memref_slice %arg2[%dma_start3A_46, %mul3A_2] : memref<26x16384xi32, #tpu.memory_space<hbm>> -> memref<1x512xi32, #tpu.memory_space<hbm>>
    %dma_start3A_50 = tpu.memref_squeeze %dma_start3A_49 : memref<1x512xi32, #tpu.memory_space<hbm>> -> memref<512xi32, #tpu.memory_space<hbm>>
    %dma_start3A_51 = arith.constant 2048 : i32
    %dma_start3A_52 = tpu.memref_slice %arg7[%dma_start3A_51] : memref<13312xi32, #tpu.memory_space<vmem>> -> memref<512xi32, #tpu.memory_space<vmem>>
    %dma_start3A_53 = tpu.memref_slice %arg2[%dma_start3A_46, %mul3A_2] : memref<26x16384xi32, #tpu.memory_space<hbm>> -> memref<1x512xi32, #tpu.memory_space<hbm>>
    %dma_start3A_54 = tpu.memref_squeeze %dma_start3A_53 : memref<1x512xi32, #tpu.memory_space<hbm>> -> memref<512xi32, #tpu.memory_space<hbm>>
    tpu.enqueue_dma source(%dma_start3A_54 : memref<512xi32, #tpu.memory_space<hbm>>) target(%dma_start3A_52 : memref<512xi32, #tpu.memory_space<vmem>>) target_semaphore(%arg12 : memref<!tpu.dma_semaphore, #tpu.memory_space<semaphore_mem>>)
    %dma_start3A_55 = arith.constant 5 : i32
    %dma_start3A_56 = arith.constant 2560 : i32
    %dma_start3A_57 = tpu.memref_slice %arg7[%dma_start3A_56] : memref<13312xi32, #tpu.memory_space<vmem>> -> memref<512xi32, #tpu.memory_space<vmem>>
    %dma_start3A_58 = tpu.memref_slice %arg2[%dma_start3A_55, %mul3A_2] : memref<26x16384xi32, #tpu.memory_space<hbm>> -> memref<1x512xi32, #tpu.memory_space<hbm>>
    %dma_start3A_59 = tpu.memref_squeeze %dma_start3A_58 : memref<1x512xi32, #tpu.memory_space<hbm>> -> memref<512xi32, #tpu.memory_space<hbm>>
    %dma_start3A_60 = arith.constant 2560 : i32
    %dma_start3A_61 = tpu.memref_slice %arg7[%dma_start3A_60] : memref<13312xi32, #tpu.memory_space<vmem>> -> memref<512xi32, #tpu.memory_space<vmem>>
    %dma_start3A_62 = tpu.memref_slice %arg2[%dma_start3A_55, %mul3A_2] : memref<26x16384xi32, #tpu.memory_space<hbm>> -> memref<1x512xi32, #tpu.memory_space<hbm>>
    %dma_start3A_63 = tpu.memref_squeeze %dma_start3A_62 : memref<1x512xi32, #tpu.memory_space<hbm>> -> memref<512xi32, #tpu.memory_space<hbm>>
    tpu.enqueue_dma source(%dma_start3A_63 : memref<512xi32, #tpu.memory_space<hbm>>) target(%dma_start3A_61 : memref<512xi32, #tpu.memory_space<vmem>>) target_semaphore(%arg12 : memref<!tpu.dma_semaphore, #tpu.memory_space<semaphore_mem>>)
    %dma_start3A_64 = arith.constant 6 : i32
    %dma_start3A_65 = arith.constant 3072 : i32
    %dma_start3A_66 = tpu.memref_slice %arg7[%dma_start3A_65] : memref<13312xi32, #tpu.memory_space<vmem>> -> memref<512xi32, #tpu.memory_space<vmem>>
    %dma_start3A_67 = tpu.memref_slice %arg2[%dma_start3A_64, %mul3A_2] : memref<26x16384xi32, #tpu.memory_space<hbm>> -> memref<1x512xi32, #tpu.memory_space<hbm>>
    %dma_start3A_68 = tpu.memref_squeeze %dma_start3A_67 : memref<1x512xi32, #tpu.memory_space<hbm>> -> memref<512xi32, #tpu.memory_space<hbm>>
    %dma_start3A_69 = arith.constant 3072 : i32
    %dma_start3A_70 = tpu.memref_slice %arg7[%dma_start3A_69] : memref<13312xi32, #tpu.memory_space<vmem>> -> memref<512xi32, #tpu.memory_space<vmem>>
    %dma_start3A_71 = tpu.memref_slice %arg2[%dma_start3A_64, %mul3A_2] : memref<26x16384xi32, #tpu.memory_space<hbm>> -> memref<1x512xi32, #tpu.memory_space<hbm>>
    %dma_start3A_72 = tpu.memref_squeeze %dma_start3A_71 : memref<1x512xi32, #tpu.memory_space<hbm>> -> memref<512xi32, #tpu.memory_space<hbm>>
    tpu.enqueue_dma source(%dma_start3A_72 : memref<512xi32, #tpu.memory_space<hbm>>) target(%dma_start3A_70 : memref<512xi32, #tpu.memory_space<vmem>>) target_semaphore(%arg12 : memref<!tpu.dma_semaphore, #tpu.memory_space<semaphore_mem>>)
    %dma_start3A_73 = arith.constant 7 : i32
    %dma_start3A_74 = arith.constant 3584 : i32
    %dma_start3A_75 = tpu.memref_slice %arg7[%dma_start3A_74] : memref<13312xi32, #tpu.memory_space<vmem>> -> memref<512xi32, #tpu.memory_space<vmem>>
    %dma_start3A_76 = tpu.memref_slice %arg2[%dma_start3A_73, %mul3A_2] : memref<26x16384xi32, #tpu.memory_space<hbm>> -> memref<1x512xi32, #tpu.memory_space<hbm>>
    %dma_start3A_77 = tpu.memref_squeeze %dma_start3A_76 : memref<1x512xi32, #tpu.memory_space<hbm>> -> memref<512xi32, #tpu.memory_space<hbm>>
    %dma_start3A_78 = arith.constant 3584 : i32
    %dma_start3A_79 = tpu.memref_slice %arg7[%dma_start3A_78] : memref<13312xi32, #tpu.memory_space<vmem>> -> memref<512xi32, #tpu.memory_space<vmem>>
    %dma_start3A_80 = tpu.memref_slice %arg2[%dma_start3A_73, %mul3A_2] : memref<26x16384xi32, #tpu.memory_space<hbm>> -> memref<1x512xi32, #tpu.memory_space<hbm>>
    %dma_start3A_81 = tpu.memref_squeeze %dma_start3A_80 : memref<1x512xi32, #tpu.memory_space<hbm>> -> memref<512xi32, #tpu.memory_space<hbm>>
    tpu.enqueue_dma source(%dma_start3A_81 : memref<512xi32, #tpu.memory_space<hbm>>) target(%dma_start3A_79 : memref<512xi32, #tpu.memory_space<vmem>>) target_semaphore(%arg12 : memref<!tpu.dma_semaphore, #tpu.memory_space<semaphore_mem>>)
    %dma_start3A_82 = arith.constant 8 : i32
    %dma_start3A_83 = arith.constant 4096 : i32
    %dma_start3A_84 = tpu.memref_slice %arg7[%dma_start3A_83] : memref<13312xi32, #tpu.memory_space<vmem>> -> memref<512xi32, #tpu.memory_space<vmem>>
    %dma_start3A_85 = tpu.memref_slice %arg2[%dma_start3A_82, %mul3A_2] : memref<26x16384xi32, #tpu.memory_space<hbm>> -> memref<1x512xi32, #tpu.memory_space<hbm>>
    %dma_start3A_86 = tpu.memref_squeeze %dma_start3A_85 : memref<1x512xi32, #tpu.memory_space<hbm>> -> memref<512xi32, #tpu.memory_space<hbm>>
    %dma_start3A_87 = arith.constant 4096 : i32
    %dma_start3A_88 = tpu.memref_slice %arg7[%dma_start3A_87] : memref<13312xi32, #tpu.memory_space<vmem>> -> memref<512xi32, #tpu.memory_space<vmem>>
    %dma_start3A_89 = tpu.memref_slice %arg2[%dma_start3A_82, %mul3A_2] : memref<26x16384xi32, #tpu.memory_space<hbm>> -> memref<1x512xi32, #tpu.memory_space<hbm>>
    %dma_start3A_90 = tpu.memref_squeeze %dma_start3A_89 : memref<1x512xi32, #tpu.memory_space<hbm>> -> memref<512xi32, #tpu.memory_space<hbm>>
    tpu.enqueue_dma source(%dma_start3A_90 : memref<512xi32, #tpu.memory_space<hbm>>) target(%dma_start3A_88 : memref<512xi32, #tpu.memory_space<vmem>>) target_semaphore(%arg12 : memref<!tpu.dma_semaphore, #tpu.memory_space<semaphore_mem>>)
    %dma_start3A_91 = arith.constant 9 : i32
    %dma_start3A_92 = arith.constant 4608 : i32
    %dma_start3A_93 = tpu.memref_slice %arg7[%dma_start3A_92] : memref<13312xi32, #tpu.memory_space<vmem>> -> memref<512xi32, #tpu.memory_space<vmem>>
    %dma_start3A_94 = tpu.memref_slice %arg2[%dma_start3A_91, %mul3A_2] : memref<26x16384xi32, #tpu.memory_space<hbm>> -> memref<1x512xi32, #tpu.memory_space<hbm>>
    %dma_start3A_95 = tpu.memref_squeeze %dma_start3A_94 : memref<1x512xi32, #tpu.memory_space<hbm>> -> memref<512xi32, #tpu.memory_space<hbm>>
    %dma_start3A_96 = arith.constant 4608 : i32
    %dma_start3A_97 = tpu.memref_slice %arg7[%dma_start3A_96] : memref<13312xi32, #tpu.memory_space<vmem>> -> memref<512xi32, #tpu.memory_space<vmem>>
    %dma_start3A_98 = tpu.memref_slice %arg2[%dma_start3A_91, %mul3A_2] : memref<26x16384xi32, #tpu.memory_space<hbm>> -> memref<1x512xi32, #tpu.memory_space<hbm>>
    %dma_start3A_99 = tpu.memref_squeeze %dma_start3A_98 : memref<1x512xi32, #tpu.memory_space<hbm>> -> memref<512xi32, #tpu.memory_space<hbm>>
    tpu.enqueue_dma source(%dma_start3A_99 : memref<512xi32, #tpu.memory_space<hbm>>) target(%dma_start3A_97 : memref<512xi32, #tpu.memory_space<vmem>>) target_semaphore(%arg12 : memref<!tpu.dma_semaphore, #tpu.memory_space<semaphore_mem>>)
    %dma_start3A_100 = arith.constant 10 : i32
    %dma_start3A_101 = arith.constant 5120 : i32
    %dma_start3A_102 = tpu.memref_slice %arg7[%dma_start3A_101] : memref<13312xi32, #tpu.memory_space<vmem>> -> memref<512xi32, #tpu.memory_space<vmem>>
    %dma_start3A_103 = tpu.memref_slice %arg2[%dma_start3A_100, %mul3A_2] : memref<26x16384xi32, #tpu.memory_space<hbm>> -> memref<1x512xi32, #tpu.memory_space<hbm>>
    %dma_start3A_104 = tpu.memref_squeeze %dma_start3A_103 : memref<1x512xi32, #tpu.memory_space<hbm>> -> memref<512xi32, #tpu.memory_space<hbm>>
    %dma_start3A_105 = arith.constant 5120 : i32
    %dma_start3A_106 = tpu.memref_slice %arg7[%dma_start3A_105] : memref<13312xi32, #tpu.memory_space<vmem>> -> memref<512xi32, #tpu.memory_space<vmem>>
    %dma_start3A_107 = tpu.memref_slice %arg2[%dma_start3A_100, %mul3A_2] : memref<26x16384xi32, #tpu.memory_space<hbm>> -> memref<1x512xi32, #tpu.memory_space<hbm>>
    %dma_start3A_108 = tpu.memref_squeeze %dma_start3A_107 : memref<1x512xi32, #tpu.memory_space<hbm>> -> memref<512xi32, #tpu.memory_space<hbm>>
    tpu.enqueue_dma source(%dma_start3A_108 : memref<512xi32, #tpu.memory_space<hbm>>) target(%dma_start3A_106 : memref<512xi32, #tpu.memory_space<vmem>>) target_semaphore(%arg12 : memref<!tpu.dma_semaphore, #tpu.memory_space<semaphore_mem>>)
    %dma_start3A_109 = arith.constant 11 : i32
    %dma_start3A_110 = arith.constant 5632 : i32
    %dma_start3A_111 = tpu.memref_slice %arg7[%dma_start3A_110] : memref<13312xi32, #tpu.memory_space<vmem>> -> memref<512xi32, #tpu.memory_space<vmem>>
    %dma_start3A_112 = tpu.memref_slice %arg2[%dma_start3A_109, %mul3A_2] : memref<26x16384xi32, #tpu.memory_space<hbm>> -> memref<1x512xi32, #tpu.memory_space<hbm>>
    %dma_start3A_113 = tpu.memref_squeeze %dma_start3A_112 : memref<1x512xi32, #tpu.memory_space<hbm>> -> memref<512xi32, #tpu.memory_space<hbm>>
    %dma_start3A_114 = arith.constant 5632 : i32
    %dma_start3A_115 = tpu.memref_slice %arg7[%dma_start3A_114] : memref<13312xi32, #tpu.memory_space<vmem>> -> memref<512xi32, #tpu.memory_space<vmem>>
    %dma_start3A_116 = tpu.memref_slice %arg2[%dma_start3A_109, %mul3A_2] : memref<26x16384xi32, #tpu.memory_space<hbm>> -> memref<1x512xi32, #tpu.memory_space<hbm>>
    %dma_start3A_117 = tpu.memref_squeeze %dma_start3A_116 : memref<1x512xi32, #tpu.memory_space<hbm>> -> memref<512xi32, #tpu.memory_space<hbm>>
    tpu.enqueue_dma source(%dma_start3A_117 : memref<512xi32, #tpu.memory_space<hbm>>) target(%dma_start3A_115 : memref<512xi32, #tpu.memory_space<vmem>>) target_semaphore(%arg12 : memref<!tpu.dma_semaphore, #tpu.memory_space<semaphore_mem>>)
    %dma_start3A_118 = arith.constant 12 : i32
    %dma_start3A_119 = arith.constant 6144 : i32
    %dma_start3A_120 = tpu.memref_slice %arg7[%dma_start3A_119] : memref<13312xi32, #tpu.memory_space<vmem>> -> memref<512xi32, #tpu.memory_space<vmem>>
    %dma_start3A_121 = tpu.memref_slice %arg2[%dma_start3A_118, %mul3A_2] : memref<26x16384xi32, #tpu.memory_space<hbm>> -> memref<1x512xi32, #tpu.memory_space<hbm>>
    %dma_start3A_122 = tpu.memref_squeeze %dma_start3A_121 : memref<1x512xi32, #tpu.memory_space<hbm>> -> memref<512xi32, #tpu.memory_space<hbm>>
    %dma_start3A_123 = arith.constant 6144 : i32
    %dma_start3A_124 = tpu.memref_slice %arg7[%dma_start3A_123] : memref<13312xi32, #tpu.memory_space<vmem>> -> memref<512xi32, #tpu.memory_space<vmem>>
    %dma_start3A_125 = tpu.memref_slice %arg2[%dma_start3A_118, %mul3A_2] : memref<26x16384xi32, #tpu.memory_space<hbm>> -> memref<1x512xi32, #tpu.memory_space<hbm>>
    %dma_start3A_126 = tpu.memref_squeeze %dma_start3A_125 : memref<1x512xi32, #tpu.memory_space<hbm>> -> memref<512xi32, #tpu.memory_space<hbm>>
    tpu.enqueue_dma source(%dma_start3A_126 : memref<512xi32, #tpu.memory_space<hbm>>) target(%dma_start3A_124 : memref<512xi32, #tpu.memory_space<vmem>>) target_semaphore(%arg12 : memref<!tpu.dma_semaphore, #tpu.memory_space<semaphore_mem>>)
    %dma_start3A_127 = arith.constant 13 : i32
    %dma_start3A_128 = arith.constant 6656 : i32
    %dma_start3A_129 = tpu.memref_slice %arg7[%dma_start3A_128] : memref<13312xi32, #tpu.memory_space<vmem>> -> memref<512xi32, #tpu.memory_space<vmem>>
    %dma_start3A_130 = tpu.memref_slice %arg2[%dma_start3A_127, %mul3A_2] : memref<26x16384xi32, #tpu.memory_space<hbm>> -> memref<1x512xi32, #tpu.memory_space<hbm>>
    %dma_start3A_131 = tpu.memref_squeeze %dma_start3A_130 : memref<1x512xi32, #tpu.memory_space<hbm>> -> memref<512xi32, #tpu.memory_space<hbm>>
    %dma_start3A_132 = arith.constant 6656 : i32
    %dma_start3A_133 = tpu.memref_slice %arg7[%dma_start3A_132] : memref<13312xi32, #tpu.memory_space<vmem>> -> memref<512xi32, #tpu.memory_space<vmem>>
    %dma_start3A_134 = tpu.memref_slice %arg2[%dma_start3A_127, %mul3A_2] : memref<26x16384xi32, #tpu.memory_space<hbm>> -> memref<1x512xi32, #tpu.memory_space<hbm>>
    %dma_start3A_135 = tpu.memref_squeeze %dma_start3A_134 : memref<1x512xi32, #tpu.memory_space<hbm>> -> memref<512xi32, #tpu.memory_space<hbm>>
    tpu.enqueue_dma source(%dma_start3A_135 : memref<512xi32, #tpu.memory_space<hbm>>) target(%dma_start3A_133 : memref<512xi32, #tpu.memory_space<vmem>>) target_semaphore(%arg12 : memref<!tpu.dma_semaphore, #tpu.memory_space<semaphore_mem>>)
    %dma_start3A_136 = arith.constant 14 : i32
    %dma_start3A_137 = arith.constant 7168 : i32
    %dma_start3A_138 = tpu.memref_slice %arg7[%dma_start3A_137] : memref<13312xi32, #tpu.memory_space<vmem>> -> memref<512xi32, #tpu.memory_space<vmem>>
    %dma_start3A_139 = tpu.memref_slice %arg2[%dma_start3A_136, %mul3A_2] : memref<26x16384xi32, #tpu.memory_space<hbm>> -> memref<1x512xi32, #tpu.memory_space<hbm>>
    %dma_start3A_140 = tpu.memref_squeeze %dma_start3A_139 : memref<1x512xi32, #tpu.memory_space<hbm>> -> memref<512xi32, #tpu.memory_space<hbm>>
    %dma_start3A_141 = arith.constant 7168 : i32
    %dma_start3A_142 = tpu.memref_slice %arg7[%dma_start3A_141] : memref<13312xi32, #tpu.memory_space<vmem>> -> memref<512xi32, #tpu.memory_space<vmem>>
    %dma_start3A_143 = tpu.memref_slice %arg2[%dma_start3A_136, %mul3A_2] : memref<26x16384xi32, #tpu.memory_space<hbm>> -> memref<1x512xi32, #tpu.memory_space<hbm>>
    %dma_start3A_144 = tpu.memref_squeeze %dma_start3A_143 : memref<1x512xi32, #tpu.memory_space<hbm>> -> memref<512xi32, #tpu.memory_space<hbm>>
    tpu.enqueue_dma source(%dma_start3A_144 : memref<512xi32, #tpu.memory_space<hbm>>) target(%dma_start3A_142 : memref<512xi32, #tpu.memory_space<vmem>>) target_semaphore(%arg12 : memref<!tpu.dma_semaphore, #tpu.memory_space<semaphore_mem>>)
    %dma_start3A_145 = arith.constant 15 : i32
    %dma_start3A_146 = arith.constant 7680 : i32
    %dma_start3A_147 = tpu.memref_slice %arg7[%dma_start3A_146] : memref<13312xi32, #tpu.memory_space<vmem>> -> memref<512xi32, #tpu.memory_space<vmem>>
    %dma_start3A_148 = tpu.memref_slice %arg2[%dma_start3A_145, %mul3A_2] : memref<26x16384xi32, #tpu.memory_space<hbm>> -> memref<1x512xi32, #tpu.memory_space<hbm>>
    %dma_start3A_149 = tpu.memref_squeeze %dma_start3A_148 : memref<1x512xi32, #tpu.memory_space<hbm>> -> memref<512xi32, #tpu.memory_space<hbm>>
    %dma_start3A_150 = arith.constant 7680 : i32
    %dma_start3A_151 = tpu.memref_slice %arg7[%dma_start3A_150] : memref<13312xi32, #tpu.memory_space<vmem>> -> memref<512xi32, #tpu.memory_space<vmem>>
    %dma_start3A_152 = tpu.memref_slice %arg2[%dma_start3A_145, %mul3A_2] : memref<26x16384xi32, #tpu.memory_space<hbm>> -> memref<1x512xi32, #tpu.memory_space<hbm>>
    %dma_start3A_153 = tpu.memref_squeeze %dma_start3A_152 : memref<1x512xi32, #tpu.memory_space<hbm>> -> memref<512xi32, #tpu.memory_space<hbm>>
    tpu.enqueue_dma source(%dma_start3A_153 : memref<512xi32, #tpu.memory_space<hbm>>) target(%dma_start3A_151 : memref<512xi32, #tpu.memory_space<vmem>>) target_semaphore(%arg12 : memref<!tpu.dma_semaphore, #tpu.memory_space<semaphore_mem>>)
    %dma_start3A_154 = arith.constant 16 : i32
    %dma_start3A_155 = arith.constant 8192 : i32
    %dma_start3A_156 = tpu.memref_slice %arg7[%dma_start3A_155] : memref<13312xi32, #tpu.memory_space<vmem>> -> memref<512xi32, #tpu.memory_space<vmem>>
    %dma_start3A_157 = tpu.memref_slice %arg2[%dma_start3A_154, %mul3A_2] : memref<26x16384xi32, #tpu.memory_space<hbm>> -> memref<1x512xi32, #tpu.memory_space<hbm>>
    %dma_start3A_158 = tpu.memref_squeeze %dma_start3A_157 : memref<1x512xi32, #tpu.memory_space<hbm>> -> memref<512xi32, #tpu.memory_space<hbm>>
    %dma_start3A_159 = arith.constant 8192 : i32
    %dma_start3A_160 = tpu.memref_slice %arg7[%dma_start3A_159] : memref<13312xi32, #tpu.memory_space<vmem>> -> memref<512xi32, #tpu.memory_space<vmem>>
    %dma_start3A_161 = tpu.memref_slice %arg2[%dma_start3A_154, %mul3A_2] : memref<26x16384xi32, #tpu.memory_space<hbm>> -> memref<1x512xi32, #tpu.memory_space<hbm>>
    %dma_start3A_162 = tpu.memref_squeeze %dma_start3A_161 : memref<1x512xi32, #tpu.memory_space<hbm>> -> memref<512xi32, #tpu.memory_space<hbm>>
    tpu.enqueue_dma source(%dma_start3A_162 : memref<512xi32, #tpu.memory_space<hbm>>) target(%dma_start3A_160 : memref<512xi32, #tpu.memory_space<vmem>>) target_semaphore(%arg12 : memref<!tpu.dma_semaphore, #tpu.memory_space<semaphore_mem>>)
    %dma_start3A_163 = arith.constant 17 : i32
    %dma_start3A_164 = arith.constant 8704 : i32
    %dma_start3A_165 = tpu.memref_slice %arg7[%dma_start3A_164] : memref<13312xi32, #tpu.memory_space<vmem>> -> memref<512xi32, #tpu.memory_space<vmem>>
    %dma_start3A_166 = tpu.memref_slice %arg2[%dma_start3A_163, %mul3A_2] : memref<26x16384xi32, #tpu.memory_space<hbm>> -> memref<1x512xi32, #tpu.memory_space<hbm>>
    %dma_start3A_167 = tpu.memref_squeeze %dma_start3A_166 : memref<1x512xi32, #tpu.memory_space<hbm>> -> memref<512xi32, #tpu.memory_space<hbm>>
    %dma_start3A_168 = arith.constant 8704 : i32
    %dma_start3A_169 = tpu.memref_slice %arg7[%dma_start3A_168] : memref<13312xi32, #tpu.memory_space<vmem>> -> memref<512xi32, #tpu.memory_space<vmem>>
    %dma_start3A_170 = tpu.memref_slice %arg2[%dma_start3A_163, %mul3A_2] : memref<26x16384xi32, #tpu.memory_space<hbm>> -> memref<1x512xi32, #tpu.memory_space<hbm>>
    %dma_start3A_171 = tpu.memref_squeeze %dma_start3A_170 : memref<1x512xi32, #tpu.memory_space<hbm>> -> memref<512xi32, #tpu.memory_space<hbm>>
    tpu.enqueue_dma source(%dma_start3A_171 : memref<512xi32, #tpu.memory_space<hbm>>) target(%dma_start3A_169 : memref<512xi32, #tpu.memory_space<vmem>>) target_semaphore(%arg12 : memref<!tpu.dma_semaphore, #tpu.memory_space<semaphore_mem>>)
    %dma_start3A_172 = arith.constant 18 : i32
    %dma_start3A_173 = arith.constant 9216 : i32
    %dma_start3A_174 = tpu.memref_slice %arg7[%dma_start3A_173] : memref<13312xi32, #tpu.memory_space<vmem>> -> memref<512xi32, #tpu.memory_space<vmem>>
    %dma_start3A_175 = tpu.memref_slice %arg2[%dma_start3A_172, %mul3A_2] : memref<26x16384xi32, #tpu.memory_space<hbm>> -> memref<1x512xi32, #tpu.memory_space<hbm>>
    %dma_start3A_176 = tpu.memref_squeeze %dma_start3A_175 : memref<1x512xi32, #tpu.memory_space<hbm>> -> memref<512xi32, #tpu.memory_space<hbm>>
    %dma_start3A_177 = arith.constant 9216 : i32
    %dma_start3A_178 = tpu.memref_slice %arg7[%dma_start3A_177] : memref<13312xi32, #tpu.memory_space<vmem>> -> memref<512xi32, #tpu.memory_space<vmem>>
    %dma_start3A_179 = tpu.memref_slice %arg2[%dma_start3A_172, %mul3A_2] : memref<26x16384xi32, #tpu.memory_space<hbm>> -> memref<1x512xi32, #tpu.memory_space<hbm>>
    %dma_start3A_180 = tpu.memref_squeeze %dma_start3A_179 : memref<1x512xi32, #tpu.memory_space<hbm>> -> memref<512xi32, #tpu.memory_space<hbm>>
    tpu.enqueue_dma source(%dma_start3A_180 : memref<512xi32, #tpu.memory_space<hbm>>) target(%dma_start3A_178 : memref<512xi32, #tpu.memory_space<vmem>>) target_semaphore(%arg12 : memref<!tpu.dma_semaphore, #tpu.memory_space<semaphore_mem>>)
    %dma_start3A_181 = arith.constant 19 : i32
    %dma_start3A_182 = arith.constant 9728 : i32
    %dma_start3A_183 = tpu.memref_slice %arg7[%dma_start3A_182] : memref<13312xi32, #tpu.memory_space<vmem>> -> memref<512xi32, #tpu.memory_space<vmem>>
    %dma_start3A_184 = tpu.memref_slice %arg2[%dma_start3A_181, %mul3A_2] : memref<26x16384xi32, #tpu.memory_space<hbm>> -> memref<1x512xi32, #tpu.memory_space<hbm>>
    %dma_start3A_185 = tpu.memref_squeeze %dma_start3A_184 : memref<1x512xi32, #tpu.memory_space<hbm>> -> memref<512xi32, #tpu.memory_space<hbm>>
    %dma_start3A_186 = arith.constant 9728 : i32
    %dma_start3A_187 = tpu.memref_slice %arg7[%dma_start3A_186] : memref<13312xi32, #tpu.memory_space<vmem>> -> memref<512xi32, #tpu.memory_space<vmem>>
    %dma_start3A_188 = tpu.memref_slice %arg2[%dma_start3A_181, %mul3A_2] : memref<26x16384xi32, #tpu.memory_space<hbm>> -> memref<1x512xi32, #tpu.memory_space<hbm>>
    %dma_start3A_189 = tpu.memref_squeeze %dma_start3A_188 : memref<1x512xi32, #tpu.memory_space<hbm>> -> memref<512xi32, #tpu.memory_space<hbm>>
    tpu.enqueue_dma source(%dma_start3A_189 : memref<512xi32, #tpu.memory_space<hbm>>) target(%dma_start3A_187 : memref<512xi32, #tpu.memory_space<vmem>>) target_semaphore(%arg12 : memref<!tpu.dma_semaphore, #tpu.memory_space<semaphore_mem>>)
    %dma_start3A_190 = arith.constant 20 : i32
    %dma_start3A_191 = arith.constant 10240 : i32
    %dma_start3A_192 = tpu.memref_slice %arg7[%dma_start3A_191] : memref<13312xi32, #tpu.memory_space<vmem>> -> memref<512xi32, #tpu.memory_space<vmem>>
    %dma_start3A_193 = tpu.memref_slice %arg2[%dma_start3A_190, %mul3A_2] : memref<26x16384xi32, #tpu.memory_space<hbm>> -> memref<1x512xi32, #tpu.memory_space<hbm>>
    %dma_start3A_194 = tpu.memref_squeeze %dma_start3A_193 : memref<1x512xi32, #tpu.memory_space<hbm>> -> memref<512xi32, #tpu.memory_space<hbm>>
    %dma_start3A_195 = arith.constant 10240 : i32
    %dma_start3A_196 = tpu.memref_slice %arg7[%dma_start3A_195] : memref<13312xi32, #tpu.memory_space<vmem>> -> memref<512xi32, #tpu.memory_space<vmem>>
    %dma_start3A_197 = tpu.memref_slice %arg2[%dma_start3A_190, %mul3A_2] : memref<26x16384xi32, #tpu.memory_space<hbm>> -> memref<1x512xi32, #tpu.memory_space<hbm>>
    %dma_start3A_198 = tpu.memref_squeeze %dma_start3A_197 : memref<1x512xi32, #tpu.memory_space<hbm>> -> memref<512xi32, #tpu.memory_space<hbm>>
    tpu.enqueue_dma source(%dma_start3A_198 : memref<512xi32, #tpu.memory_space<hbm>>) target(%dma_start3A_196 : memref<512xi32, #tpu.memory_space<vmem>>) target_semaphore(%arg12 : memref<!tpu.dma_semaphore, #tpu.memory_space<semaphore_mem>>)
    %dma_start3A_199 = arith.constant 21 : i32
    %dma_start3A_200 = arith.constant 10752 : i32
    %dma_start3A_201 = tpu.memref_slice %arg7[%dma_start3A_200] : memref<13312xi32, #tpu.memory_space<vmem>> -> memref<512xi32, #tpu.memory_space<vmem>>
    %dma_start3A_202 = tpu.memref_slice %arg2[%dma_start3A_199, %mul3A_2] : memref<26x16384xi32, #tpu.memory_space<hbm>> -> memref<1x512xi32, #tpu.memory_space<hbm>>
    %dma_start3A_203 = tpu.memref_squeeze %dma_start3A_202 : memref<1x512xi32, #tpu.memory_space<hbm>> -> memref<512xi32, #tpu.memory_space<hbm>>
    %dma_start3A_204 = arith.constant 10752 : i32
    %dma_start3A_205 = tpu.memref_slice %arg7[%dma_start3A_204] : memref<13312xi32, #tpu.memory_space<vmem>> -> memref<512xi32, #tpu.memory_space<vmem>>
    %dma_start3A_206 = tpu.memref_slice %arg2[%dma_start3A_199, %mul3A_2] : memref<26x16384xi32, #tpu.memory_space<hbm>> -> memref<1x512xi32, #tpu.memory_space<hbm>>
    %dma_start3A_207 = tpu.memref_squeeze %dma_start3A_206 : memref<1x512xi32, #tpu.memory_space<hbm>> -> memref<512xi32, #tpu.memory_space<hbm>>
    tpu.enqueue_dma source(%dma_start3A_207 : memref<512xi32, #tpu.memory_space<hbm>>) target(%dma_start3A_205 : memref<512xi32, #tpu.memory_space<vmem>>) target_semaphore(%arg12 : memref<!tpu.dma_semaphore, #tpu.memory_space<semaphore_mem>>)
    %dma_start3A_208 = arith.constant 22 : i32
    %dma_start3A_209 = arith.constant 11264 : i32
    %dma_start3A_210 = tpu.memref_slice %arg7[%dma_start3A_209] : memref<13312xi32, #tpu.memory_space<vmem>> -> memref<512xi32, #tpu.memory_space<vmem>>
    %dma_start3A_211 = tpu.memref_slice %arg2[%dma_start3A_208, %mul3A_2] : memref<26x16384xi32, #tpu.memory_space<hbm>> -> memref<1x512xi32, #tpu.memory_space<hbm>>
    %dma_start3A_212 = tpu.memref_squeeze %dma_start3A_211 : memref<1x512xi32, #tpu.memory_space<hbm>> -> memref<512xi32, #tpu.memory_space<hbm>>
    %dma_start3A_213 = arith.constant 11264 : i32
    %dma_start3A_214 = tpu.memref_slice %arg7[%dma_start3A_213] : memref<13312xi32, #tpu.memory_space<vmem>> -> memref<512xi32, #tpu.memory_space<vmem>>
    %dma_start3A_215 = tpu.memref_slice %arg2[%dma_start3A_208, %mul3A_2] : memref<26x16384xi32, #tpu.memory_space<hbm>> -> memref<1x512xi32, #tpu.memory_space<hbm>>
    %dma_start3A_216 = tpu.memref_squeeze %dma_start3A_215 : memref<1x512xi32, #tpu.memory_space<hbm>> -> memref<512xi32, #tpu.memory_space<hbm>>
    tpu.enqueue_dma source(%dma_start3A_216 : memref<512xi32, #tpu.memory_space<hbm>>) target(%dma_start3A_214 : memref<512xi32, #tpu.memory_space<vmem>>) target_semaphore(%arg12 : memref<!tpu.dma_semaphore, #tpu.memory_space<semaphore_mem>>)
    %dma_start3A_217 = arith.constant 23 : i32
    %dma_start3A_218 = arith.constant 11776 : i32
    %dma_start3A_219 = tpu.memref_slice %arg7[%dma_start3A_218] : memref<13312xi32, #tpu.memory_space<vmem>> -> memref<512xi32, #tpu.memory_space<vmem>>
    %dma_start3A_220 = tpu.memref_slice %arg2[%dma_start3A_217, %mul3A_2] : memref<26x16384xi32, #tpu.memory_space<hbm>> -> memref<1x512xi32, #tpu.memory_space<hbm>>
    %dma_start3A_221 = tpu.memref_squeeze %dma_start3A_220 : memref<1x512xi32, #tpu.memory_space<hbm>> -> memref<512xi32, #tpu.memory_space<hbm>>
    %dma_start3A_222 = arith.constant 11776 : i32
    %dma_start3A_223 = tpu.memref_slice %arg7[%dma_start3A_222] : memref<13312xi32, #tpu.memory_space<vmem>> -> memref<512xi32, #tpu.memory_space<vmem>>
    %dma_start3A_224 = tpu.memref_slice %arg2[%dma_start3A_217, %mul3A_2] : memref<26x16384xi32, #tpu.memory_space<hbm>> -> memref<1x512xi32, #tpu.memory_space<hbm>>
    %dma_start3A_225 = tpu.memref_squeeze %dma_start3A_224 : memref<1x512xi32, #tpu.memory_space<hbm>> -> memref<512xi32, #tpu.memory_space<hbm>>
    tpu.enqueue_dma source(%dma_start3A_225 : memref<512xi32, #tpu.memory_space<hbm>>) target(%dma_start3A_223 : memref<512xi32, #tpu.memory_space<vmem>>) target_semaphore(%arg12 : memref<!tpu.dma_semaphore, #tpu.memory_space<semaphore_mem>>)
    %dma_start3A_226 = arith.constant 24 : i32
    %dma_start3A_227 = arith.constant 12288 : i32
    %dma_start3A_228 = tpu.memref_slice %arg7[%dma_start3A_227] : memref<13312xi32, #tpu.memory_space<vmem>> -> memref<512xi32, #tpu.memory_space<vmem>>
    %dma_start3A_229 = tpu.memref_slice %arg2[%dma_start3A_226, %mul3A_2] : memref<26x16384xi32, #tpu.memory_space<hbm>> -> memref<1x512xi32, #tpu.memory_space<hbm>>
    %dma_start3A_230 = tpu.memref_squeeze %dma_start3A_229 : memref<1x512xi32, #tpu.memory_space<hbm>> -> memref<512xi32, #tpu.memory_space<hbm>>
    %dma_start3A_231 = arith.constant 12288 : i32
    %dma_start3A_232 = tpu.memref_slice %arg7[%dma_start3A_231] : memref<13312xi32, #tpu.memory_space<vmem>> -> memref<512xi32, #tpu.memory_space<vmem>>
    %dma_start3A_233 = tpu.memref_slice %arg2[%dma_start3A_226, %mul3A_2] : memref<26x16384xi32, #tpu.memory_space<hbm>> -> memref<1x512xi32, #tpu.memory_space<hbm>>
    %dma_start3A_234 = tpu.memref_squeeze %dma_start3A_233 : memref<1x512xi32, #tpu.memory_space<hbm>> -> memref<512xi32, #tpu.memory_space<hbm>>
    tpu.enqueue_dma source(%dma_start3A_234 : memref<512xi32, #tpu.memory_space<hbm>>) target(%dma_start3A_232 : memref<512xi32, #tpu.memory_space<vmem>>) target_semaphore(%arg12 : memref<!tpu.dma_semaphore, #tpu.memory_space<semaphore_mem>>)
    %dma_start3A_235 = arith.constant 25 : i32
    %dma_start3A_236 = arith.constant 12800 : i32
    %dma_start3A_237 = tpu.memref_slice %arg7[%dma_start3A_236] : memref<13312xi32, #tpu.memory_space<vmem>> -> memref<512xi32, #tpu.memory_space<vmem>>
    %dma_start3A_238 = tpu.memref_slice %arg2[%dma_start3A_235, %mul3A_2] : memref<26x16384xi32, #tpu.memory_space<hbm>> -> memref<1x512xi32, #tpu.memory_space<hbm>>
    %dma_start3A_239 = tpu.memref_squeeze %dma_start3A_238 : memref<1x512xi32, #tpu.memory_space<hbm>> -> memref<512xi32, #tpu.memory_space<hbm>>
    %dma_start3A_240 = arith.constant 12800 : i32
    %dma_start3A_241 = tpu.memref_slice %arg7[%dma_start3A_240] : memref<13312xi32, #tpu.memory_space<vmem>> -> memref<512xi32, #tpu.memory_space<vmem>>
    %dma_start3A_242 = tpu.memref_slice %arg2[%dma_start3A_235, %mul3A_2] : memref<26x16384xi32, #tpu.memory_space<hbm>> -> memref<1x512xi32, #tpu.memory_space<hbm>>
    %dma_start3A_243 = tpu.memref_squeeze %dma_start3A_242 : memref<1x512xi32, #tpu.memory_space<hbm>> -> memref<512xi32, #tpu.memory_space<hbm>>
    tpu.enqueue_dma source(%dma_start3A_243 : memref<512xi32, #tpu.memory_space<hbm>>) target(%dma_start3A_241 : memref<512xi32, #tpu.memory_space<vmem>>) target_semaphore(%arg12 : memref<!tpu.dma_semaphore, #tpu.memory_space<semaphore_mem>>)
    %dma_wait3A = arith.constant 0 : i32
    %dma_wait3A_244 = arith.constant 0 : i32
    %dma_wait3A_245 = tpu.memref_slice %arg7[%dma_wait3A_244] : memref<13312xi32, #tpu.memory_space<vmem>> -> memref<512xi32, #tpu.memory_space<vmem>>
    %dma_wait3A_246 = tpu.memref_slice %arg2[%dma_wait3A, %mul3A_2] : memref<26x16384xi32, #tpu.memory_space<hbm>> -> memref<1x512xi32, #tpu.memory_space<hbm>>
    %dma_wait3A_247 = tpu.memref_squeeze %dma_wait3A_246 : memref<1x512xi32, #tpu.memory_space<hbm>> -> memref<512xi32, #tpu.memory_space<hbm>>
    %dma_wait3A_248 = arith.constant 0 : i32
    %dma_wait3A_249 = tpu.memref_slice %arg7[%dma_wait3A_248] : memref<13312xi32, #tpu.memory_space<vmem>> -> memref<512xi32, #tpu.memory_space<vmem>>
    %dma_wait3A_250 = tpu.memref_slice %arg2[%dma_wait3A, %mul3A_2] : memref<26x16384xi32, #tpu.memory_space<hbm>> -> memref<1x512xi32, #tpu.memory_space<hbm>>
    %dma_wait3A_251 = tpu.memref_squeeze %dma_wait3A_250 : memref<1x512xi32, #tpu.memory_space<hbm>> -> memref<512xi32, #tpu.memory_space<hbm>>
    tpu.wait_dma2 semaphore(%arg12 : memref<!tpu.dma_semaphore, #tpu.memory_space<semaphore_mem>>) src(%dma_wait3A_251 : memref<512xi32, #tpu.memory_space<hbm>>) dst(%dma_wait3A_249 : memref<512xi32, #tpu.memory_space<vmem>>)
    %dma_wait3A_252 = arith.constant 1 : i32
    %dma_wait3A_253 = arith.constant 512 : i32
    %dma_wait3A_254 = tpu.memref_slice %arg7[%dma_wait3A_253] : memref<13312xi32, #tpu.memory_space<vmem>> -> memref<512xi32, #tpu.memory_space<vmem>>
    %dma_wait3A_255 = tpu.memref_slice %arg2[%dma_wait3A_252, %mul3A_2] : memref<26x16384xi32, #tpu.memory_space<hbm>> -> memref<1x512xi32, #tpu.memory_space<hbm>>
    %dma_wait3A_256 = tpu.memref_squeeze %dma_wait3A_255 : memref<1x512xi32, #tpu.memory_space<hbm>> -> memref<512xi32, #tpu.memory_space<hbm>>
    %dma_wait3A_257 = arith.constant 512 : i32
    %dma_wait3A_258 = tpu.memref_slice %arg7[%dma_wait3A_257] : memref<13312xi32, #tpu.memory_space<vmem>> -> memref<512xi32, #tpu.memory_space<vmem>>
    %dma_wait3A_259 = tpu.memref_slice %arg2[%dma_wait3A_252, %mul3A_2] : memref<26x16384xi32, #tpu.memory_space<hbm>> -> memref<1x512xi32, #tpu.memory_space<hbm>>
    %dma_wait3A_260 = tpu.memref_squeeze %dma_wait3A_259 : memref<1x512xi32, #tpu.memory_space<hbm>> -> memref<512xi32, #tpu.memory_space<hbm>>
    tpu.wait_dma2 semaphore(%arg12 : memref<!tpu.dma_semaphore, #tpu.memory_space<semaphore_mem>>) src(%dma_wait3A_260 : memref<512xi32, #tpu.memory_space<hbm>>) dst(%dma_wait3A_258 : memref<512xi32, #tpu.memory_space<vmem>>)
    %dma_wait3A_261 = arith.constant 2 : i32
    %dma_wait3A_262 = arith.constant 1024 : i32
    %dma_wait3A_263 = tpu.memref_slice %arg7[%dma_wait3A_262] : memref<13312xi32, #tpu.memory_space<vmem>> -> memref<512xi32, #tpu.memory_space<vmem>>
    %dma_wait3A_264 = tpu.memref_slice %arg2[%dma_wait3A_261, %mul3A_2] : memref<26x16384xi32, #tpu.memory_space<hbm>> -> memref<1x512xi32, #tpu.memory_space<hbm>>
    %dma_wait3A_265 = tpu.memref_squeeze %dma_wait3A_264 : memref<1x512xi32, #tpu.memory_space<hbm>> -> memref<512xi32, #tpu.memory_space<hbm>>
    %dma_wait3A_266 = arith.constant 1024 : i32
    %dma_wait3A_267 = tpu.memref_slice %arg7[%dma_wait3A_266] : memref<13312xi32, #tpu.memory_space<vmem>> -> memref<512xi32, #tpu.memory_space<vmem>>
    %dma_wait3A_268 = tpu.memref_slice %arg2[%dma_wait3A_261, %mul3A_2] : memref<26x16384xi32, #tpu.memory_space<hbm>> -> memref<1x512xi32, #tpu.memory_space<hbm>>
    %dma_wait3A_269 = tpu.memref_squeeze %dma_wait3A_268 : memref<1x512xi32, #tpu.memory_space<hbm>> -> memref<512xi32, #tpu.memory_space<hbm>>
    tpu.wait_dma2 semaphore(%arg12 : memref<!tpu.dma_semaphore, #tpu.memory_space<semaphore_mem>>) src(%dma_wait3A_269 : memref<512xi32, #tpu.memory_space<hbm>>) dst(%dma_wait3A_267 : memref<512xi32, #tpu.memory_space<vmem>>)
    %dma_wait3A_270 = arith.constant 3 : i32
    %dma_wait3A_271 = arith.constant 1536 : i32
    %dma_wait3A_272 = tpu.memref_slice %arg7[%dma_wait3A_271] : memref<13312xi32, #tpu.memory_space<vmem>> -> memref<512xi32, #tpu.memory_space<vmem>>
    %dma_wait3A_273 = tpu.memref_slice %arg2[%dma_wait3A_270, %mul3A_2] : memref<26x16384xi32, #tpu.memory_space<hbm>> -> memref<1x512xi32, #tpu.memory_space<hbm>>
    %dma_wait3A_274 = tpu.memref_squeeze %dma_wait3A_273 : memref<1x512xi32, #tpu.memory_space<hbm>> -> memref<512xi32, #tpu.memory_space<hbm>>
    %dma_wait3A_275 = arith.constant 1536 : i32
    %dma_wait3A_276 = tpu.memref_slice %arg7[%dma_wait3A_275] : memref<13312xi32, #tpu.memory_space<vmem>> -> memref<512xi32, #tpu.memory_space<vmem>>
    %dma_wait3A_277 = tpu.memref_slice %arg2[%dma_wait3A_270, %mul3A_2] : memref<26x16384xi32, #tpu.memory_space<hbm>> -> memref<1x512xi32, #tpu.memory_space<hbm>>
    %dma_wait3A_278 = tpu.memref_squeeze %dma_wait3A_277 : memref<1x512xi32, #tpu.memory_space<hbm>> -> memref<512xi32, #tpu.memory_space<hbm>>
    tpu.wait_dma2 semaphore(%arg12 : memref<!tpu.dma_semaphore, #tpu.memory_space<semaphore_mem>>) src(%dma_wait3A_278 : memref<512xi32, #tpu.memory_space<hbm>>) dst(%dma_wait3A_276 : memref<512xi32, #tpu.memory_space<vmem>>)
    %dma_wait3A_279 = arith.constant 4 : i32
    %dma_wait3A_280 = arith.constant 2048 : i32
    %dma_wait3A_281 = tpu.memref_slice %arg7[%dma_wait3A_280] : memref<13312xi32, #tpu.memory_space<vmem>> -> memref<512xi32, #tpu.memory_space<vmem>>
    %dma_wait3A_282 = tpu.memref_slice %arg2[%dma_wait3A_279, %mul3A_2] : memref<26x16384xi32, #tpu.memory_space<hbm>> -> memref<1x512xi32, #tpu.memory_space<hbm>>
    %dma_wait3A_283 = tpu.memref_squeeze %dma_wait3A_282 : memref<1x512xi32, #tpu.memory_space<hbm>> -> memref<512xi32, #tpu.memory_space<hbm>>
    %dma_wait3A_284 = arith.constant 2048 : i32
    %dma_wait3A_285 = tpu.memref_slice %arg7[%dma_wait3A_284] : memref<13312xi32, #tpu.memory_space<vmem>> -> memref<512xi32, #tpu.memory_space<vmem>>
    %dma_wait3A_286 = tpu.memref_slice %arg2[%dma_wait3A_279, %mul3A_2] : memref<26x16384xi32, #tpu.memory_space<hbm>> -> memref<1x512xi32, #tpu.memory_space<hbm>>
    %dma_wait3A_287 = tpu.memref_squeeze %dma_wait3A_286 : memref<1x512xi32, #tpu.memory_space<hbm>> -> memref<512xi32, #tpu.memory_space<hbm>>
    tpu.wait_dma2 semaphore(%arg12 : memref<!tpu.dma_semaphore, #tpu.memory_space<semaphore_mem>>) src(%dma_wait3A_287 : memref<512xi32, #tpu.memory_space<hbm>>) dst(%dma_wait3A_285 : memref<512xi32, #tpu.memory_space<vmem>>)
    %dma_wait3A_288 = arith.constant 5 : i32
    %dma_wait3A_289 = arith.constant 2560 : i32
    %dma_wait3A_290 = tpu.memref_slice %arg7[%dma_wait3A_289] : memref<13312xi32, #tpu.memory_space<vmem>> -> memref<512xi32, #tpu.memory_space<vmem>>
    %dma_wait3A_291 = tpu.memref_slice %arg2[%dma_wait3A_288, %mul3A_2] : memref<26x16384xi32, #tpu.memory_space<hbm>> -> memref<1x512xi32, #tpu.memory_space<hbm>>
    %dma_wait3A_292 = tpu.memref_squeeze %dma_wait3A_291 : memref<1x512xi32, #tpu.memory_space<hbm>> -> memref<512xi32, #tpu.memory_space<hbm>>
    %dma_wait3A_293 = arith.constant 2560 : i32
    %dma_wait3A_294 = tpu.memref_slice %arg7[%dma_wait3A_293] : memref<13312xi32, #tpu.memory_space<vmem>> -> memref<512xi32, #tpu.memory_space<vmem>>
    %dma_wait3A_295 = tpu.memref_slice %arg2[%dma_wait3A_288, %mul3A_2] : memref<26x16384xi32, #tpu.memory_space<hbm>> -> memref<1x512xi32, #tpu.memory_space<hbm>>
    %dma_wait3A_296 = tpu.memref_squeeze %dma_wait3A_295 : memref<1x512xi32, #tpu.memory_space<hbm>> -> memref<512xi32, #tpu.memory_space<hbm>>
    tpu.wait_dma2 semaphore(%arg12 : memref<!tpu.dma_semaphore, #tpu.memory_space<semaphore_mem>>) src(%dma_wait3A_296 : memref<512xi32, #tpu.memory_space<hbm>>) dst(%dma_wait3A_294 : memref<512xi32, #tpu.memory_space<vmem>>)
    %dma_wait3A_297 = arith.constant 6 : i32
    %dma_wait3A_298 = arith.constant 3072 : i32
    %dma_wait3A_299 = tpu.memref_slice %arg7[%dma_wait3A_298] : memref<13312xi32, #tpu.memory_space<vmem>> -> memref<512xi32, #tpu.memory_space<vmem>>
    %dma_wait3A_300 = tpu.memref_slice %arg2[%dma_wait3A_297, %mul3A_2] : memref<26x16384xi32, #tpu.memory_space<hbm>> -> memref<1x512xi32, #tpu.memory_space<hbm>>
    %dma_wait3A_301 = tpu.memref_squeeze %dma_wait3A_300 : memref<1x512xi32, #tpu.memory_space<hbm>> -> memref<512xi32, #tpu.memory_space<hbm>>
    %dma_wait3A_302 = arith.constant 3072 : i32
    %dma_wait3A_303 = tpu.memref_slice %arg7[%dma_wait3A_302] : memref<13312xi32, #tpu.memory_space<vmem>> -> memref<512xi32, #tpu.memory_space<vmem>>
    %dma_wait3A_304 = tpu.memref_slice %arg2[%dma_wait3A_297, %mul3A_2] : memref<26x16384xi32, #tpu.memory_space<hbm>> -> memref<1x512xi32, #tpu.memory_space<hbm>>
    %dma_wait3A_305 = tpu.memref_squeeze %dma_wait3A_304 : memref<1x512xi32, #tpu.memory_space<hbm>> -> memref<512xi32, #tpu.memory_space<hbm>>
    tpu.wait_dma2 semaphore(%arg12 : memref<!tpu.dma_semaphore, #tpu.memory_space<semaphore_mem>>) src(%dma_wait3A_305 : memref<512xi32, #tpu.memory_space<hbm>>) dst(%dma_wait3A_303 : memref<512xi32, #tpu.memory_space<vmem>>)
    %dma_wait3A_306 = arith.constant 7 : i32
    %dma_wait3A_307 = arith.constant 3584 : i32
    %dma_wait3A_308 = tpu.memref_slice %arg7[%dma_wait3A_307] : memref<13312xi32, #tpu.memory_space<vmem>> -> memref<512xi32, #tpu.memory_space<vmem>>
    %dma_wait3A_309 = tpu.memref_slice %arg2[%dma_wait3A_306, %mul3A_2] : memref<26x16384xi32, #tpu.memory_space<hbm>> -> memref<1x512xi32, #tpu.memory_space<hbm>>
    %dma_wait3A_310 = tpu.memref_squeeze %dma_wait3A_309 : memref<1x512xi32, #tpu.memory_space<hbm>> -> memref<512xi32, #tpu.memory_space<hbm>>
    %dma_wait3A_311 = arith.constant 3584 : i32
    %dma_wait3A_312 = tpu.memref_slice %arg7[%dma_wait3A_311] : memref<13312xi32, #tpu.memory_space<vmem>> -> memref<512xi32, #tpu.memory_space<vmem>>
    %dma_wait3A_313 = tpu.memref_slice %arg2[%dma_wait3A_306, %mul3A_2] : memref<26x16384xi32, #tpu.memory_space<hbm>> -> memref<1x512xi32, #tpu.memory_space<hbm>>
    %dma_wait3A_314 = tpu.memref_squeeze %dma_wait3A_313 : memref<1x512xi32, #tpu.memory_space<hbm>> -> memref<512xi32, #tpu.memory_space<hbm>>
    tpu.wait_dma2 semaphore(%arg12 : memref<!tpu.dma_semaphore, #tpu.memory_space<semaphore_mem>>) src(%dma_wait3A_314 : memref<512xi32, #tpu.memory_space<hbm>>) dst(%dma_wait3A_312 : memref<512xi32, #tpu.memory_space<vmem>>)
    %dma_wait3A_315 = arith.constant 8 : i32
    %dma_wait3A_316 = arith.constant 4096 : i32
    %dma_wait3A_317 = tpu.memref_slice %arg7[%dma_wait3A_316] : memref<13312xi32, #tpu.memory_space<vmem>> -> memref<512xi32, #tpu.memory_space<vmem>>
    %dma_wait3A_318 = tpu.memref_slice %arg2[%dma_wait3A_315, %mul3A_2] : memref<26x16384xi32, #tpu.memory_space<hbm>> -> memref<1x512xi32, #tpu.memory_space<hbm>>
    %dma_wait3A_319 = tpu.memref_squeeze %dma_wait3A_318 : memref<1x512xi32, #tpu.memory_space<hbm>> -> memref<512xi32, #tpu.memory_space<hbm>>
    %dma_wait3A_320 = arith.constant 4096 : i32
    %dma_wait3A_321 = tpu.memref_slice %arg7[%dma_wait3A_320] : memref<13312xi32, #tpu.memory_space<vmem>> -> memref<512xi32, #tpu.memory_space<vmem>>
    %dma_wait3A_322 = tpu.memref_slice %arg2[%dma_wait3A_315, %mul3A_2] : memref<26x16384xi32, #tpu.memory_space<hbm>> -> memref<1x512xi32, #tpu.memory_space<hbm>>
    %dma_wait3A_323 = tpu.memref_squeeze %dma_wait3A_322 : memref<1x512xi32, #tpu.memory_space<hbm>> -> memref<512xi32, #tpu.memory_space<hbm>>
    tpu.wait_dma2 semaphore(%arg12 : memref<!tpu.dma_semaphore, #tpu.memory_space<semaphore_mem>>) src(%dma_wait3A_323 : memref<512xi32, #tpu.memory_space<hbm>>) dst(%dma_wait3A_321 : memref<512xi32, #tpu.memory_space<vmem>>)
    %dma_wait3A_324 = arith.constant 9 : i32
    %dma_wait3A_325 = arith.constant 4608 : i32
    %dma_wait3A_326 = tpu.memref_slice %arg7[%dma_wait3A_325] : memref<13312xi32, #tpu.memory_space<vmem>> -> memref<512xi32, #tpu.memory_space<vmem>>
    %dma_wait3A_327 = tpu.memref_slice %arg2[%dma_wait3A_324, %mul3A_2] : memref<26x16384xi32, #tpu.memory_space<hbm>> -> memref<1x512xi32, #tpu.memory_space<hbm>>
    %dma_wait3A_328 = tpu.memref_squeeze %dma_wait3A_327 : memref<1x512xi32, #tpu.memory_space<hbm>> -> memref<512xi32, #tpu.memory_space<hbm>>
    %dma_wait3A_329 = arith.constant 4608 : i32
    %dma_wait3A_330 = tpu.memref_slice %arg7[%dma_wait3A_329] : memref<13312xi32, #tpu.memory_space<vmem>> -> memref<512xi32, #tpu.memory_space<vmem>>
    %dma_wait3A_331 = tpu.memref_slice %arg2[%dma_wait3A_324, %mul3A_2] : memref<26x16384xi32, #tpu.memory_space<hbm>> -> memref<1x512xi32, #tpu.memory_space<hbm>>
    %dma_wait3A_332 = tpu.memref_squeeze %dma_wait3A_331 : memref<1x512xi32, #tpu.memory_space<hbm>> -> memref<512xi32, #tpu.memory_space<hbm>>
    tpu.wait_dma2 semaphore(%arg12 : memref<!tpu.dma_semaphore, #tpu.memory_space<semaphore_mem>>) src(%dma_wait3A_332 : memref<512xi32, #tpu.memory_space<hbm>>) dst(%dma_wait3A_330 : memref<512xi32, #tpu.memory_space<vmem>>)
    %dma_wait3A_333 = arith.constant 10 : i32
    %dma_wait3A_334 = arith.constant 5120 : i32
    %dma_wait3A_335 = tpu.memref_slice %arg7[%dma_wait3A_334] : memref<13312xi32, #tpu.memory_space<vmem>> -> memref<512xi32, #tpu.memory_space<vmem>>
    %dma_wait3A_336 = tpu.memref_slice %arg2[%dma_wait3A_333, %mul3A_2] : memref<26x16384xi32, #tpu.memory_space<hbm>> -> memref<1x512xi32, #tpu.memory_space<hbm>>
    %dma_wait3A_337 = tpu.memref_squeeze %dma_wait3A_336 : memref<1x512xi32, #tpu.memory_space<hbm>> -> memref<512xi32, #tpu.memory_space<hbm>>
    %dma_wait3A_338 = arith.constant 5120 : i32
    %dma_wait3A_339 = tpu.memref_slice %arg7[%dma_wait3A_338] : memref<13312xi32, #tpu.memory_space<vmem>> -> memref<512xi32, #tpu.memory_space<vmem>>
    %dma_wait3A_340 = tpu.memref_slice %arg2[%dma_wait3A_333, %mul3A_2] : memref<26x16384xi32, #tpu.memory_space<hbm>> -> memref<1x512xi32, #tpu.memory_space<hbm>>
    %dma_wait3A_341 = tpu.memref_squeeze %dma_wait3A_340 : memref<1x512xi32, #tpu.memory_space<hbm>> -> memref<512xi32, #tpu.memory_space<hbm>>
    tpu.wait_dma2 semaphore(%arg12 : memref<!tpu.dma_semaphore, #tpu.memory_space<semaphore_mem>>) src(%dma_wait3A_341 : memref<512xi32, #tpu.memory_space<hbm>>) dst(%dma_wait3A_339 : memref<512xi32, #tpu.memory_space<vmem>>)
    %dma_wait3A_342 = arith.constant 11 : i32
    %dma_wait3A_343 = arith.constant 5632 : i32
    %dma_wait3A_344 = tpu.memref_slice %arg7[%dma_wait3A_343] : memref<13312xi32, #tpu.memory_space<vmem>> -> memref<512xi32, #tpu.memory_space<vmem>>
    %dma_wait3A_345 = tpu.memref_slice %arg2[%dma_wait3A_342, %mul3A_2] : memref<26x16384xi32, #tpu.memory_space<hbm>> -> memref<1x512xi32, #tpu.memory_space<hbm>>
    %dma_wait3A_346 = tpu.memref_squeeze %dma_wait3A_345 : memref<1x512xi32, #tpu.memory_space<hbm>> -> memref<512xi32, #tpu.memory_space<hbm>>
    %dma_wait3A_347 = arith.constant 5632 : i32
    %dma_wait3A_348 = tpu.memref_slice %arg7[%dma_wait3A_347] : memref<13312xi32, #tpu.memory_space<vmem>> -> memref<512xi32, #tpu.memory_space<vmem>>
    %dma_wait3A_349 = tpu.memref_slice %arg2[%dma_wait3A_342, %mul3A_2] : memref<26x16384xi32, #tpu.memory_space<hbm>> -> memref<1x512xi32, #tpu.memory_space<hbm>>
    %dma_wait3A_350 = tpu.memref_squeeze %dma_wait3A_349 : memref<1x512xi32, #tpu.memory_space<hbm>> -> memref<512xi32, #tpu.memory_space<hbm>>
    tpu.wait_dma2 semaphore(%arg12 : memref<!tpu.dma_semaphore, #tpu.memory_space<semaphore_mem>>) src(%dma_wait3A_350 : memref<512xi32, #tpu.memory_space<hbm>>) dst(%dma_wait3A_348 : memref<512xi32, #tpu.memory_space<vmem>>)
    %dma_wait3A_351 = arith.constant 12 : i32
    %dma_wait3A_352 = arith.constant 6144 : i32
    %dma_wait3A_353 = tpu.memref_slice %arg7[%dma_wait3A_352] : memref<13312xi32, #tpu.memory_space<vmem>> -> memref<512xi32, #tpu.memory_space<vmem>>
    %dma_wait3A_354 = tpu.memref_slice %arg2[%dma_wait3A_351, %mul3A_2] : memref<26x16384xi32, #tpu.memory_space<hbm>> -> memref<1x512xi32, #tpu.memory_space<hbm>>
    %dma_wait3A_355 = tpu.memref_squeeze %dma_wait3A_354 : memref<1x512xi32, #tpu.memory_space<hbm>> -> memref<512xi32, #tpu.memory_space<hbm>>
    %dma_wait3A_356 = arith.constant 6144 : i32
    %dma_wait3A_357 = tpu.memref_slice %arg7[%dma_wait3A_356] : memref<13312xi32, #tpu.memory_space<vmem>> -> memref<512xi32, #tpu.memory_space<vmem>>
    %dma_wait3A_358 = tpu.memref_slice %arg2[%dma_wait3A_351, %mul3A_2] : memref<26x16384xi32, #tpu.memory_space<hbm>> -> memref<1x512xi32, #tpu.memory_space<hbm>>
    %dma_wait3A_359 = tpu.memref_squeeze %dma_wait3A_358 : memref<1x512xi32, #tpu.memory_space<hbm>> -> memref<512xi32, #tpu.memory_space<hbm>>
    tpu.wait_dma2 semaphore(%arg12 : memref<!tpu.dma_semaphore, #tpu.memory_space<semaphore_mem>>) src(%dma_wait3A_359 : memref<512xi32, #tpu.memory_space<hbm>>) dst(%dma_wait3A_357 : memref<512xi32, #tpu.memory_space<vmem>>)
    %dma_wait3A_360 = arith.constant 13 : i32
    %dma_wait3A_361 = arith.constant 6656 : i32
    %dma_wait3A_362 = tpu.memref_slice %arg7[%dma_wait3A_361] : memref<13312xi32, #tpu.memory_space<vmem>> -> memref<512xi32, #tpu.memory_space<vmem>>
    %dma_wait3A_363 = tpu.memref_slice %arg2[%dma_wait3A_360, %mul3A_2] : memref<26x16384xi32, #tpu.memory_space<hbm>> -> memref<1x512xi32, #tpu.memory_space<hbm>>
    %dma_wait3A_364 = tpu.memref_squeeze %dma_wait3A_363 : memref<1x512xi32, #tpu.memory_space<hbm>> -> memref<512xi32, #tpu.memory_space<hbm>>
    %dma_wait3A_365 = arith.constant 6656 : i32
    %dma_wait3A_366 = tpu.memref_slice %arg7[%dma_wait3A_365] : memref<13312xi32, #tpu.memory_space<vmem>> -> memref<512xi32, #tpu.memory_space<vmem>>
    %dma_wait3A_367 = tpu.memref_slice %arg2[%dma_wait3A_360, %mul3A_2] : memref<26x16384xi32, #tpu.memory_space<hbm>> -> memref<1x512xi32, #tpu.memory_space<hbm>>
    %dma_wait3A_368 = tpu.memref_squeeze %dma_wait3A_367 : memref<1x512xi32, #tpu.memory_space<hbm>> -> memref<512xi32, #tpu.memory_space<hbm>>
    tpu.wait_dma2 semaphore(%arg12 : memref<!tpu.dma_semaphore, #tpu.memory_space<semaphore_mem>>) src(%dma_wait3A_368 : memref<512xi32, #tpu.memory_space<hbm>>) dst(%dma_wait3A_366 : memref<512xi32, #tpu.memory_space<vmem>>)
    %dma_wait3A_369 = arith.constant 14 : i32
    %dma_wait3A_370 = arith.constant 7168 : i32
    %dma_wait3A_371 = tpu.memref_slice %arg7[%dma_wait3A_370] : memref<13312xi32, #tpu.memory_space<vmem>> -> memref<512xi32, #tpu.memory_space<vmem>>
    %dma_wait3A_372 = tpu.memref_slice %arg2[%dma_wait3A_369, %mul3A_2] : memref<26x16384xi32, #tpu.memory_space<hbm>> -> memref<1x512xi32, #tpu.memory_space<hbm>>
    %dma_wait3A_373 = tpu.memref_squeeze %dma_wait3A_372 : memref<1x512xi32, #tpu.memory_space<hbm>> -> memref<512xi32, #tpu.memory_space<hbm>>
    %dma_wait3A_374 = arith.constant 7168 : i32
    %dma_wait3A_375 = tpu.memref_slice %arg7[%dma_wait3A_374] : memref<13312xi32, #tpu.memory_space<vmem>> -> memref<512xi32, #tpu.memory_space<vmem>>
    %dma_wait3A_376 = tpu.memref_slice %arg2[%dma_wait3A_369, %mul3A_2] : memref<26x16384xi32, #tpu.memory_space<hbm>> -> memref<1x512xi32, #tpu.memory_space<hbm>>
    %dma_wait3A_377 = tpu.memref_squeeze %dma_wait3A_376 : memref<1x512xi32, #tpu.memory_space<hbm>> -> memref<512xi32, #tpu.memory_space<hbm>>
    tpu.wait_dma2 semaphore(%arg12 : memref<!tpu.dma_semaphore, #tpu.memory_space<semaphore_mem>>) src(%dma_wait3A_377 : memref<512xi32, #tpu.memory_space<hbm>>) dst(%dma_wait3A_375 : memref<512xi32, #tpu.memory_space<vmem>>)
    %dma_wait3A_378 = arith.constant 15 : i32
    %dma_wait3A_379 = arith.constant 7680 : i32
    %dma_wait3A_380 = tpu.memref_slice %arg7[%dma_wait3A_379] : memref<13312xi32, #tpu.memory_space<vmem>> -> memref<512xi32, #tpu.memory_space<vmem>>
    %dma_wait3A_381 = tpu.memref_slice %arg2[%dma_wait3A_378, %mul3A_2] : memref<26x16384xi32, #tpu.memory_space<hbm>> -> memref<1x512xi32, #tpu.memory_space<hbm>>
    %dma_wait3A_382 = tpu.memref_squeeze %dma_wait3A_381 : memref<1x512xi32, #tpu.memory_space<hbm>> -> memref<512xi32, #tpu.memory_space<hbm>>
    %dma_wait3A_383 = arith.constant 7680 : i32
    %dma_wait3A_384 = tpu.memref_slice %arg7[%dma_wait3A_383] : memref<13312xi32, #tpu.memory_space<vmem>> -> memref<512xi32, #tpu.memory_space<vmem>>
    %dma_wait3A_385 = tpu.memref_slice %arg2[%dma_wait3A_378, %mul3A_2] : memref<26x16384xi32, #tpu.memory_space<hbm>> -> memref<1x512xi32, #tpu.memory_space<hbm>>
    %dma_wait3A_386 = tpu.memref_squeeze %dma_wait3A_385 : memref<1x512xi32, #tpu.memory_space<hbm>> -> memref<512xi32, #tpu.memory_space<hbm>>
    tpu.wait_dma2 semaphore(%arg12 : memref<!tpu.dma_semaphore, #tpu.memory_space<semaphore_mem>>) src(%dma_wait3A_386 : memref<512xi32, #tpu.memory_space<hbm>>) dst(%dma_wait3A_384 : memref<512xi32, #tpu.memory_space<vmem>>)
    %dma_wait3A_387 = arith.constant 16 : i32
    %dma_wait3A_388 = arith.constant 8192 : i32
    %dma_wait3A_389 = tpu.memref_slice %arg7[%dma_wait3A_388] : memref<13312xi32, #tpu.memory_space<vmem>> -> memref<512xi32, #tpu.memory_space<vmem>>
    %dma_wait3A_390 = tpu.memref_slice %arg2[%dma_wait3A_387, %mul3A_2] : memref<26x16384xi32, #tpu.memory_space<hbm>> -> memref<1x512xi32, #tpu.memory_space<hbm>>
    %dma_wait3A_391 = tpu.memref_squeeze %dma_wait3A_390 : memref<1x512xi32, #tpu.memory_space<hbm>> -> memref<512xi32, #tpu.memory_space<hbm>>
    %dma_wait3A_392 = arith.constant 8192 : i32
    %dma_wait3A_393 = tpu.memref_slice %arg7[%dma_wait3A_392] : memref<13312xi32, #tpu.memory_space<vmem>> -> memref<512xi32, #tpu.memory_space<vmem>>
    %dma_wait3A_394 = tpu.memref_slice %arg2[%dma_wait3A_387, %mul3A_2] : memref<26x16384xi32, #tpu.memory_space<hbm>> -> memref<1x512xi32, #tpu.memory_space<hbm>>
    %dma_wait3A_395 = tpu.memref_squeeze %dma_wait3A_394 : memref<1x512xi32, #tpu.memory_space<hbm>> -> memref<512xi32, #tpu.memory_space<hbm>>
    tpu.wait_dma2 semaphore(%arg12 : memref<!tpu.dma_semaphore, #tpu.memory_space<semaphore_mem>>) src(%dma_wait3A_395 : memref<512xi32, #tpu.memory_space<hbm>>) dst(%dma_wait3A_393 : memref<512xi32, #tpu.memory_space<vmem>>)
    %dma_wait3A_396 = arith.constant 17 : i32
    %dma_wait3A_397 = arith.constant 8704 : i32
    %dma_wait3A_398 = tpu.memref_slice %arg7[%dma_wait3A_397] : memref<13312xi32, #tpu.memory_space<vmem>> -> memref<512xi32, #tpu.memory_space<vmem>>
    %dma_wait3A_399 = tpu.memref_slice %arg2[%dma_wait3A_396, %mul3A_2] : memref<26x16384xi32, #tpu.memory_space<hbm>> -> memref<1x512xi32, #tpu.memory_space<hbm>>
    %dma_wait3A_400 = tpu.memref_squeeze %dma_wait3A_399 : memref<1x512xi32, #tpu.memory_space<hbm>> -> memref<512xi32, #tpu.memory_space<hbm>>
    %dma_wait3A_401 = arith.constant 8704 : i32
    %dma_wait3A_402 = tpu.memref_slice %arg7[%dma_wait3A_401] : memref<13312xi32, #tpu.memory_space<vmem>> -> memref<512xi32, #tpu.memory_space<vmem>>
    %dma_wait3A_403 = tpu.memref_slice %arg2[%dma_wait3A_396, %mul3A_2] : memref<26x16384xi32, #tpu.memory_space<hbm>> -> memref<1x512xi32, #tpu.memory_space<hbm>>
    %dma_wait3A_404 = tpu.memref_squeeze %dma_wait3A_403 : memref<1x512xi32, #tpu.memory_space<hbm>> -> memref<512xi32, #tpu.memory_space<hbm>>
    tpu.wait_dma2 semaphore(%arg12 : memref<!tpu.dma_semaphore, #tpu.memory_space<semaphore_mem>>) src(%dma_wait3A_404 : memref<512xi32, #tpu.memory_space<hbm>>) dst(%dma_wait3A_402 : memref<512xi32, #tpu.memory_space<vmem>>)
    %dma_wait3A_405 = arith.constant 18 : i32
    %dma_wait3A_406 = arith.constant 9216 : i32
    %dma_wait3A_407 = tpu.memref_slice %arg7[%dma_wait3A_406] : memref<13312xi32, #tpu.memory_space<vmem>> -> memref<512xi32, #tpu.memory_space<vmem>>
    %dma_wait3A_408 = tpu.memref_slice %arg2[%dma_wait3A_405, %mul3A_2] : memref<26x16384xi32, #tpu.memory_space<hbm>> -> memref<1x512xi32, #tpu.memory_space<hbm>>
    %dma_wait3A_409 = tpu.memref_squeeze %dma_wait3A_408 : memref<1x512xi32, #tpu.memory_space<hbm>> -> memref<512xi32, #tpu.memory_space<hbm>>
    %dma_wait3A_410 = arith.constant 9216 : i32
    %dma_wait3A_411 = tpu.memref_slice %arg7[%dma_wait3A_410] : memref<13312xi32, #tpu.memory_space<vmem>> -> memref<512xi32, #tpu.memory_space<vmem>>
    %dma_wait3A_412 = tpu.memref_slice %arg2[%dma_wait3A_405, %mul3A_2] : memref<26x16384xi32, #tpu.memory_space<hbm>> -> memref<1x512xi32, #tpu.memory_space<hbm>>
    %dma_wait3A_413 = tpu.memref_squeeze %dma_wait3A_412 : memref<1x512xi32, #tpu.memory_space<hbm>> -> memref<512xi32, #tpu.memory_space<hbm>>
    tpu.wait_dma2 semaphore(%arg12 : memref<!tpu.dma_semaphore, #tpu.memory_space<semaphore_mem>>) src(%dma_wait3A_413 : memref<512xi32, #tpu.memory_space<hbm>>) dst(%dma_wait3A_411 : memref<512xi32, #tpu.memory_space<vmem>>)
    %dma_wait3A_414 = arith.constant 19 : i32
    %dma_wait3A_415 = arith.constant 9728 : i32
    %dma_wait3A_416 = tpu.memref_slice %arg7[%dma_wait3A_415] : memref<13312xi32, #tpu.memory_space<vmem>> -> memref<512xi32, #tpu.memory_space<vmem>>
    %dma_wait3A_417 = tpu.memref_slice %arg2[%dma_wait3A_414, %mul3A_2] : memref<26x16384xi32, #tpu.memory_space<hbm>> -> memref<1x512xi32, #tpu.memory_space<hbm>>
    %dma_wait3A_418 = tpu.memref_squeeze %dma_wait3A_417 : memref<1x512xi32, #tpu.memory_space<hbm>> -> memref<512xi32, #tpu.memory_space<hbm>>
    %dma_wait3A_419 = arith.constant 9728 : i32
    %dma_wait3A_420 = tpu.memref_slice %arg7[%dma_wait3A_419] : memref<13312xi32, #tpu.memory_space<vmem>> -> memref<512xi32, #tpu.memory_space<vmem>>
    %dma_wait3A_421 = tpu.memref_slice %arg2[%dma_wait3A_414, %mul3A_2] : memref<26x16384xi32, #tpu.memory_space<hbm>> -> memref<1x512xi32, #tpu.memory_space<hbm>>
    %dma_wait3A_422 = tpu.memref_squeeze %dma_wait3A_421 : memref<1x512xi32, #tpu.memory_space<hbm>> -> memref<512xi32, #tpu.memory_space<hbm>>
    tpu.wait_dma2 semaphore(%arg12 : memref<!tpu.dma_semaphore, #tpu.memory_space<semaphore_mem>>) src(%dma_wait3A_422 : memref<512xi32, #tpu.memory_space<hbm>>) dst(%dma_wait3A_420 : memref<512xi32, #tpu.memory_space<vmem>>)
    %dma_wait3A_423 = arith.constant 20 : i32
    %dma_wait3A_424 = arith.constant 10240 : i32
    %dma_wait3A_425 = tpu.memref_slice %arg7[%dma_wait3A_424] : memref<13312xi32, #tpu.memory_space<vmem>> -> memref<512xi32, #tpu.memory_space<vmem>>
    %dma_wait3A_426 = tpu.memref_slice %arg2[%dma_wait3A_423, %mul3A_2] : memref<26x16384xi32, #tpu.memory_space<hbm>> -> memref<1x512xi32, #tpu.memory_space<hbm>>
    %dma_wait3A_427 = tpu.memref_squeeze %dma_wait3A_426 : memref<1x512xi32, #tpu.memory_space<hbm>> -> memref<512xi32, #tpu.memory_space<hbm>>
    %dma_wait3A_428 = arith.constant 10240 : i32
    %dma_wait3A_429 = tpu.memref_slice %arg7[%dma_wait3A_428] : memref<13312xi32, #tpu.memory_space<vmem>> -> memref<512xi32, #tpu.memory_space<vmem>>
    %dma_wait3A_430 = tpu.memref_slice %arg2[%dma_wait3A_423, %mul3A_2] : memref<26x16384xi32, #tpu.memory_space<hbm>> -> memref<1x512xi32, #tpu.memory_space<hbm>>
    %dma_wait3A_431 = tpu.memref_squeeze %dma_wait3A_430 : memref<1x512xi32, #tpu.memory_space<hbm>> -> memref<512xi32, #tpu.memory_space<hbm>>
    tpu.wait_dma2 semaphore(%arg12 : memref<!tpu.dma_semaphore, #tpu.memory_space<semaphore_mem>>) src(%dma_wait3A_431 : memref<512xi32, #tpu.memory_space<hbm>>) dst(%dma_wait3A_429 : memref<512xi32, #tpu.memory_space<vmem>>)
    %dma_wait3A_432 = arith.constant 21 : i32
    %dma_wait3A_433 = arith.constant 10752 : i32
    %dma_wait3A_434 = tpu.memref_slice %arg7[%dma_wait3A_433] : memref<13312xi32, #tpu.memory_space<vmem>> -> memref<512xi32, #tpu.memory_space<vmem>>
    %dma_wait3A_435 = tpu.memref_slice %arg2[%dma_wait3A_432, %mul3A_2] : memref<26x16384xi32, #tpu.memory_space<hbm>> -> memref<1x512xi32, #tpu.memory_space<hbm>>
    %dma_wait3A_436 = tpu.memref_squeeze %dma_wait3A_435 : memref<1x512xi32, #tpu.memory_space<hbm>> -> memref<512xi32, #tpu.memory_space<hbm>>
    %dma_wait3A_437 = arith.constant 10752 : i32
    %dma_wait3A_438 = tpu.memref_slice %arg7[%dma_wait3A_437] : memref<13312xi32, #tpu.memory_space<vmem>> -> memref<512xi32, #tpu.memory_space<vmem>>
    %dma_wait3A_439 = tpu.memref_slice %arg2[%dma_wait3A_432, %mul3A_2] : memref<26x16384xi32, #tpu.memory_space<hbm>> -> memref<1x512xi32, #tpu.memory_space<hbm>>
    %dma_wait3A_440 = tpu.memref_squeeze %dma_wait3A_439 : memref<1x512xi32, #tpu.memory_space<hbm>> -> memref<512xi32, #tpu.memory_space<hbm>>
    tpu.wait_dma2 semaphore(%arg12 : memref<!tpu.dma_semaphore, #tpu.memory_space<semaphore_mem>>) src(%dma_wait3A_440 : memref<512xi32, #tpu.memory_space<hbm>>) dst(%dma_wait3A_438 : memref<512xi32, #tpu.memory_space<vmem>>)
    %dma_wait3A_441 = arith.constant 22 : i32
    %dma_wait3A_442 = arith.constant 11264 : i32
    %dma_wait3A_443 = tpu.memref_slice %arg7[%dma_wait3A_442] : memref<13312xi32, #tpu.memory_space<vmem>> -> memref<512xi32, #tpu.memory_space<vmem>>
    %dma_wait3A_444 = tpu.memref_slice %arg2[%dma_wait3A_441, %mul3A_2] : memref<26x16384xi32, #tpu.memory_space<hbm>> -> memref<1x512xi32, #tpu.memory_space<hbm>>
    %dma_wait3A_445 = tpu.memref_squeeze %dma_wait3A_444 : memref<1x512xi32, #tpu.memory_space<hbm>> -> memref<512xi32, #tpu.memory_space<hbm>>
    %dma_wait3A_446 = arith.constant 11264 : i32
    %dma_wait3A_447 = tpu.memref_slice %arg7[%dma_wait3A_446] : memref<13312xi32, #tpu.memory_space<vmem>> -> memref<512xi32, #tpu.memory_space<vmem>>
    %dma_wait3A_448 = tpu.memref_slice %arg2[%dma_wait3A_441, %mul3A_2] : memref<26x16384xi32, #tpu.memory_space<hbm>> -> memref<1x512xi32, #tpu.memory_space<hbm>>
    %dma_wait3A_449 = tpu.memref_squeeze %dma_wait3A_448 : memref<1x512xi32, #tpu.memory_space<hbm>> -> memref<512xi32, #tpu.memory_space<hbm>>
    tpu.wait_dma2 semaphore(%arg12 : memref<!tpu.dma_semaphore, #tpu.memory_space<semaphore_mem>>) src(%dma_wait3A_449 : memref<512xi32, #tpu.memory_space<hbm>>) dst(%dma_wait3A_447 : memref<512xi32, #tpu.memory_space<vmem>>)
    %dma_wait3A_450 = arith.constant 23 : i32
    %dma_wait3A_451 = arith.constant 11776 : i32
    %dma_wait3A_452 = tpu.memref_slice %arg7[%dma_wait3A_451] : memref<13312xi32, #tpu.memory_space<vmem>> -> memref<512xi32, #tpu.memory_space<vmem>>
    %dma_wait3A_453 = tpu.memref_slice %arg2[%dma_wait3A_450, %mul3A_2] : memref<26x16384xi32, #tpu.memory_space<hbm>> -> memref<1x512xi32, #tpu.memory_space<hbm>>
    %dma_wait3A_454 = tpu.memref_squeeze %dma_wait3A_453 : memref<1x512xi32, #tpu.memory_space<hbm>> -> memref<512xi32, #tpu.memory_space<hbm>>
    %dma_wait3A_455 = arith.constant 11776 : i32
    %dma_wait3A_456 = tpu.memref_slice %arg7[%dma_wait3A_455] : memref<13312xi32, #tpu.memory_space<vmem>> -> memref<512xi32, #tpu.memory_space<vmem>>
    %dma_wait3A_457 = tpu.memref_slice %arg2[%dma_wait3A_450, %mul3A_2] : memref<26x16384xi32, #tpu.memory_space<hbm>> -> memref<1x512xi32, #tpu.memory_space<hbm>>
    %dma_wait3A_458 = tpu.memref_squeeze %dma_wait3A_457 : memref<1x512xi32, #tpu.memory_space<hbm>> -> memref<512xi32, #tpu.memory_space<hbm>>
    tpu.wait_dma2 semaphore(%arg12 : memref<!tpu.dma_semaphore, #tpu.memory_space<semaphore_mem>>) src(%dma_wait3A_458 : memref<512xi32, #tpu.memory_space<hbm>>) dst(%dma_wait3A_456 : memref<512xi32, #tpu.memory_space<vmem>>)
    %dma_wait3A_459 = arith.constant 24 : i32
    %dma_wait3A_460 = arith.constant 12288 : i32
    %dma_wait3A_461 = tpu.memref_slice %arg7[%dma_wait3A_460] : memref<13312xi32, #tpu.memory_space<vmem>> -> memref<512xi32, #tpu.memory_space<vmem>>
    %dma_wait3A_462 = tpu.memref_slice %arg2[%dma_wait3A_459, %mul3A_2] : memref<26x16384xi32, #tpu.memory_space<hbm>> -> memref<1x512xi32, #tpu.memory_space<hbm>>
    %dma_wait3A_463 = tpu.memref_squeeze %dma_wait3A_462 : memref<1x512xi32, #tpu.memory_space<hbm>> -> memref<512xi32, #tpu.memory_space<hbm>>
    %dma_wait3A_464 = arith.constant 12288 : i32
    %dma_wait3A_465 = tpu.memref_slice %arg7[%dma_wait3A_464] : memref<13312xi32, #tpu.memory_space<vmem>> -> memref<512xi32, #tpu.memory_space<vmem>>
    %dma_wait3A_466 = tpu.memref_slice %arg2[%dma_wait3A_459, %mul3A_2] : memref<26x16384xi32, #tpu.memory_space<hbm>> -> memref<1x512xi32, #tpu.memory_space<hbm>>
    %dma_wait3A_467 = tpu.memref_squeeze %dma_wait3A_466 : memref<1x512xi32, #tpu.memory_space<hbm>> -> memref<512xi32, #tpu.memory_space<hbm>>
    tpu.wait_dma2 semaphore(%arg12 : memref<!tpu.dma_semaphore, #tpu.memory_space<semaphore_mem>>) src(%dma_wait3A_467 : memref<512xi32, #tpu.memory_space<hbm>>) dst(%dma_wait3A_465 : memref<512xi32, #tpu.memory_space<vmem>>)
    %dma_wait3A_468 = arith.constant 25 : i32
    %dma_wait3A_469 = arith.constant 12800 : i32
    %dma_wait3A_470 = tpu.memref_slice %arg7[%dma_wait3A_469] : memref<13312xi32, #tpu.memory_space<vmem>> -> memref<512xi32, #tpu.memory_space<vmem>>
    %dma_wait3A_471 = tpu.memref_slice %arg2[%dma_wait3A_468, %mul3A_2] : memref<26x16384xi32, #tpu.memory_space<hbm>> -> memref<1x512xi32, #tpu.memory_space<hbm>>
    %dma_wait3A_472 = tpu.memref_squeeze %dma_wait3A_471 : memref<1x512xi32, #tpu.memory_space<hbm>> -> memref<512xi32, #tpu.memory_space<hbm>>
    %dma_wait3A_473 = arith.constant 12800 : i32
    %dma_wait3A_474 = tpu.memref_slice %arg7[%dma_wait3A_473] : memref<13312xi32, #tpu.memory_space<vmem>> -> memref<512xi32, #tpu.memory_space<vmem>>
    %dma_wait3A_475 = tpu.memref_slice %arg2[%dma_wait3A_468, %mul3A_2] : memref<26x16384xi32, #tpu.memory_space<hbm>> -> memref<1x512xi32, #tpu.memory_space<hbm>>
    %dma_wait3A_476 = tpu.memref_squeeze %dma_wait3A_475 : memref<1x512xi32, #tpu.memory_space<hbm>> -> memref<512xi32, #tpu.memory_space<hbm>>
    tpu.wait_dma2 semaphore(%arg12 : memref<!tpu.dma_semaphore, #tpu.memory_space<semaphore_mem>>) src(%dma_wait3A_476 : memref<512xi32, #tpu.memory_space<hbm>>) dst(%dma_wait3A_474 : memref<512xi32, #tpu.memory_space<vmem>>)
    %iota3A = tpu.iota {dimensions = array<i32: 0>} : vector<16xi32>
    %scan3A = arith.constant 0 : i32
    %scan3A_477 = arith.constant 0 : i32
    %scan3A_478 = arith.constant 26 : i32
    %scan3A_479 = arith.addi %scan3A_477, %scan3A_478 : i32
    %scan3A_480 = arith.constant 1 : i32
    %scan3A_481 = scf.for %scan3A_514 = %scan3A_477 to %scan3A_479 step %scan3A_480 iter_args(%scan3A_515 = %scan3A) -> (i32)  : i32 {
      %mul3A_516 = arith.constant 40000 : i32
      %mul3A_517 = arith.muli %scan3A_514, %mul3A_516 : i32
      %mul3A_518 = arith.constant 512 : i32
      %mul3A_519 = arith.muli %scan3A_514, %mul3A_518 : i32
      %add3A_520 = arith.constant 0 : i32
      %add3A_521 = arith.addi %mul3A_519, %add3A_520 : i32
      %get3A_522 = arith.index_cast %add3A_521 : i32 to index
      %get3A_523 = tpu.vector_load %arg7[%get3A_522] {strides = array<i32>} : memref<13312xi32, #tpu.memory_space<vmem>>, vector<16xi32>,
      %get3A_524 = vector.shape_cast %get3A_523 : vector<16xi32> to vector<16xi32>
      %add3A_525 = vector.broadcast %mul3A_517 : i32 to vector<16xi32>
      %add3A_526 = arith.addi %get3A_524, %add3A_525 : vector<16xi32>
      %swap3A_527 = arith.index_cast %add3A_521 : i32 to index
      %swap3A_528 = tpu.vector_load %arg7[%swap3A_527] {strides = array<i32>} : memref<13312xi32, #tpu.memory_space<vmem>>, vector<16xi32>,
      %swap3A_529 = vector.shape_cast %swap3A_528 : vector<16xi32> to vector<16xi32>
      %swap3A_530 = vector.shape_cast %add3A_526 : vector<16xi32> to vector<16xi32>
      tpu.vector_store %arg7[%swap3A_527], %swap3A_530 {strides = array<i32>} : memref<13312xi32, #tpu.memory_space<vmem>>, vector<16xi32>,
      %mul3A_531 = arith.constant 512 : i32
      %mul3A_532 = arith.muli %scan3A_514, %mul3A_531 : i32
      %add3A_533 = arith.constant 16 : i32
      %add3A_534 = arith.addi %mul3A_532, %add3A_533 : i32
      %get3A_535 = arith.index_cast %add3A_534 : i32 to index
      %get3A_536 = tpu.vector_load %arg7[%get3A_535] {strides = array<i32>} : memref<13312xi32, #tpu.memory_space<vmem>>, vector<16xi32>,
      %get3A_537 = vector.shape_cast %get3A_536 : vector<16xi32> to vector<16xi32>
      %add3A_538 = vector.broadcast %mul3A_517 : i32 to vector<16xi32>
      %add3A_539 = arith.addi %get3A_537, %add3A_538 : vector<16xi32>
      %swap3A_540 = arith.index_cast %add3A_534 : i32 to index
      %swap3A_541 = tpu.vector_load %arg7[%swap3A_540] {strides = array<i32>} : memref<13312xi32, #tpu.memory_space<vmem>>, vector<16xi32>,
      %swap3A_542 = vector.shape_cast %swap3A_541 : vector<16xi32> to vector<16xi32>
      %swap3A_543 = vector.shape_cast %add3A_539 : vector<16xi32> to vector<16xi32>
      tpu.vector_store %arg7[%swap3A_540], %swap3A_543 {strides = array<i32>} : memref<13312xi32, #tpu.memory_space<vmem>>, vector<16xi32>,
      %mul3A_544 = arith.constant 512 : i32
      %mul3A_545 = arith.muli %scan3A_514, %mul3A_544 : i32
      %add3A_546 = arith.constant 32 : i32
      %add3A_547 = arith.addi %mul3A_545, %add3A_546 : i32
      %get3A_548 = arith.index_cast %add3A_547 : i32 to index
      %get3A_549 = tpu.vector_load %arg7[%get3A_548] {strides = array<i32>} : memref<13312xi32, #tpu.memory_space<vmem>>, vector<16xi32>,
      %get3A_550 = vector.shape_cast %get3A_549 : vector<16xi32> to vector<16xi32>
      %add3A_551 = vector.broadcast %mul3A_517 : i32 to vector<16xi32>
      %add3A_552 = arith.addi %get3A_550, %add3A_551 : vector<16xi32>
      %swap3A_553 = arith.index_cast %add3A_547 : i32 to index
      %swap3A_554 = tpu.vector_load %arg7[%swap3A_553] {strides = array<i32>} : memref<13312xi32, #tpu.memory_space<vmem>>, vector<16xi32>,
      %swap3A_555 = vector.shape_cast %swap3A_554 : vector<16xi32> to vector<16xi32>
      %swap3A_556 = vector.shape_cast %add3A_552 : vector<16xi32> to vector<16xi32>
      tpu.vector_store %arg7[%swap3A_553], %swap3A_556 {strides = array<i32>} : memref<13312xi32, #tpu.memory_space<vmem>>, vector<16xi32>,
      %mul3A_557 = arith.constant 512 : i32
      %mul3A_558 = arith.muli %scan3A_514, %mul3A_557 : i32
      %add3A_559 = arith.constant 48 : i32
      %add3A_560 = arith.addi %mul3A_558, %add3A_559 : i32
      %get3A_561 = arith.index_cast %add3A_560 : i32 to index
      %get3A_562 = tpu.vector_load %arg7[%get3A_561] {strides = array<i32>} : memref<13312xi32, #tpu.memory_space<vmem>>, vector<16xi32>,
      %get3A_563 = vector.shape_cast %get3A_562 : vector<16xi32> to vector<16xi32>
      %add3A_564 = vector.broadcast %mul3A_517 : i32 to vector<16xi32>
      %add3A_565 = arith.addi %get3A_563, %add3A_564 : vector<16xi32>
      %swap3A_566 = arith.index_cast %add3A_560 : i32 to index
      %swap3A_567 = tpu.vector_load %arg7[%swap3A_566] {strides = array<i32>} : memref<13312xi32, #tpu.memory_space<vmem>>, vector<16xi32>,
      %swap3A_568 = vector.shape_cast %swap3A_567 : vector<16xi32> to vector<16xi32>
      %swap3A_569 = vector.shape_cast %add3A_565 : vector<16xi32> to vector<16xi32>
      tpu.vector_store %arg7[%swap3A_566], %swap3A_569 {strides = array<i32>} : memref<13312xi32, #tpu.memory_space<vmem>>, vector<16xi32>,
      %mul3A_570 = arith.constant 512 : i32
      %mul3A_571 = arith.muli %scan3A_514, %mul3A_570 : i32
      %add3A_572 = arith.constant 64 : i32
      %add3A_573 = arith.addi %mul3A_571, %add3A_572 : i32
      %get3A_574 = arith.index_cast %add3A_573 : i32 to index
      %get3A_575 = tpu.vector_load %arg7[%get3A_574] {strides = array<i32>} : memref<13312xi32, #tpu.memory_space<vmem>>, vector<16xi32>,
      %get3A_576 = vector.shape_cast %get3A_575 : vector<16xi32> to vector<16xi32>
      %add3A_577 = vector.broadcast %mul3A_517 : i32 to vector<16xi32>
      %add3A_578 = arith.addi %get3A_576, %add3A_577 : vector<16xi32>
      %swap3A_579 = arith.index_cast %add3A_573 : i32 to index
      %swap3A_580 = tpu.vector_load %arg7[%swap3A_579] {strides = array<i32>} : memref<13312xi32, #tpu.memory_space<vmem>>, vector<16xi32>,
      %swap3A_581 = vector.shape_cast %swap3A_580 : vector<16xi32> to vector<16xi32>
      %swap3A_582 = vector.shape_cast %add3A_578 : vector<16xi32> to vector<16xi32>
      tpu.vector_store %arg7[%swap3A_579], %swap3A_582 {strides = array<i32>} : memref<13312xi32, #tpu.memory_space<vmem>>, vector<16xi32>,
      %mul3A_583 = arith.constant 512 : i32
      %mul3A_584 = arith.muli %scan3A_514, %mul3A_583 : i32
      %add3A_585 = arith.constant 80 : i32
      %add3A_586 = arith.addi %mul3A_584, %add3A_585 : i32
      %get3A_587 = arith.index_cast %add3A_586 : i32 to index
      %get3A_588 = tpu.vector_load %arg7[%get3A_587] {strides = array<i32>} : memref<13312xi32, #tpu.memory_space<vmem>>, vector<16xi32>,
      %get3A_589 = vector.shape_cast %get3A_588 : vector<16xi32> to vector<16xi32>
      %add3A_590 = vector.broadcast %mul3A_517 : i32 to vector<16xi32>
      %add3A_591 = arith.addi %get3A_589, %add3A_590 : vector<16xi32>
      %swap3A_592 = arith.index_cast %add3A_586 : i32 to index
      %swap3A_593 = tpu.vector_load %arg7[%swap3A_592] {strides = array<i32>} : memref<13312xi32, #tpu.memory_space<vmem>>, vector<16xi32>,
      %swap3A_594 = vector.shape_cast %swap3A_593 : vector<16xi32> to vector<16xi32>
      %swap3A_595 = vector.shape_cast %add3A_591 : vector<16xi32> to vector<16xi32>
      tpu.vector_store %arg7[%swap3A_592], %swap3A_595 {strides = array<i32>} : memref<13312xi32, #tpu.memory_space<vmem>>, vector<16xi32>,
      %mul3A_596 = arith.constant 512 : i32
      %mul3A_597 = arith.muli %scan3A_514, %mul3A_596 : i32
      %add3A_598 = arith.constant 96 : i32
      %add3A_599 = arith.addi %mul3A_597, %add3A_598 : i32
      %get3A_600 = arith.index_cast %add3A_599 : i32 to index
      %get3A_601 = tpu.vector_load %arg7[%get3A_600] {strides = array<i32>} : memref<13312xi32, #tpu.memory_space<vmem>>, vector<16xi32>,
      %get3A_602 = vector.shape_cast %get3A_601 : vector<16xi32> to vector<16xi32>
      %add3A_603 = vector.broadcast %mul3A_517 : i32 to vector<16xi32>
      %add3A_604 = arith.addi %get3A_602, %add3A_603 : vector<16xi32>
      %swap3A_605 = arith.index_cast %add3A_599 : i32 to index
      %swap3A_606 = tpu.vector_load %arg7[%swap3A_605] {strides = array<i32>} : memref<13312xi32, #tpu.memory_space<vmem>>, vector<16xi32>,
      %swap3A_607 = vector.shape_cast %swap3A_606 : vector<16xi32> to vector<16xi32>
      %swap3A_608 = vector.shape_cast %add3A_604 : vector<16xi32> to vector<16xi32>
      tpu.vector_store %arg7[%swap3A_605], %swap3A_608 {strides = array<i32>} : memref<13312xi32, #tpu.memory_space<vmem>>, vector<16xi32>,
      %mul3A_609 = arith.constant 512 : i32
      %mul3A_610 = arith.muli %scan3A_514, %mul3A_609 : i32
      %add3A_611 = arith.constant 112 : i32
      %add3A_612 = arith.addi %mul3A_610, %add3A_611 : i32
      %get3A_613 = arith.index_cast %add3A_612 : i32 to index
      %get3A_614 = tpu.vector_load %arg7[%get3A_613] {strides = array<i32>} : memref<13312xi32, #tpu.memory_space<vmem>>, vector<16xi32>,
      %get3A_615 = vector.shape_cast %get3A_614 : vector<16xi32> to vector<16xi32>
      %add3A_616 = vector.broadcast %mul3A_517 : i32 to vector<16xi32>
      %add3A_617 = arith.addi %get3A_615, %add3A_616 : vector<16xi32>
      %swap3A_618 = arith.index_cast %add3A_612 : i32 to index
      %swap3A_619 = tpu.vector_load %arg7[%swap3A_618] {strides = array<i32>} : memref<13312xi32, #tpu.memory_space<vmem>>, vector<16xi32>,
      %swap3A_620 = vector.shape_cast %swap3A_619 : vector<16xi32> to vector<16xi32>
      %swap3A_621 = vector.shape_cast %add3A_617 : vector<16xi32> to vector<16xi32>
      tpu.vector_store %arg7[%swap3A_618], %swap3A_621 {strides = array<i32>} : memref<13312xi32, #tpu.memory_space<vmem>>, vector<16xi32>,
      %mul3A_622 = arith.constant 512 : i32
      %mul3A_623 = arith.muli %scan3A_514, %mul3A_622 : i32
      %add3A_624 = arith.constant 128 : i32
      %add3A_625 = arith.addi %mul3A_623, %add3A_624 : i32
      %get3A_626 = arith.index_cast %add3A_625 : i32 to index
      %get3A_627 = tpu.vector_load %arg7[%get3A_626] {strides = array<i32>} : memref<13312xi32, #tpu.memory_space<vmem>>, vector<16xi32>,
      %get3A_628 = vector.shape_cast %get3A_627 : vector<16xi32> to vector<16xi32>
      %add3A_629 = vector.broadcast %mul3A_517 : i32 to vector<16xi32>
      %add3A_630 = arith.addi %get3A_628, %add3A_629 : vector<16xi32>
      %swap3A_631 = arith.index_cast %add3A_625 : i32 to index
      %swap3A_632 = tpu.vector_load %arg7[%swap3A_631] {strides = array<i32>} : memref<13312xi32, #tpu.memory_space<vmem>>, vector<16xi32>,
      %swap3A_633 = vector.shape_cast %swap3A_632 : vector<16xi32> to vector<16xi32>
      %swap3A_634 = vector.shape_cast %add3A_630 : vector<16xi32> to vector<16xi32>
      tpu.vector_store %arg7[%swap3A_631], %swap3A_634 {strides = array<i32>} : memref<13312xi32, #tpu.memory_space<vmem>>, vector<16xi32>,
      %mul3A_635 = arith.constant 512 : i32
      %mul3A_636 = arith.muli %scan3A_514, %mul3A_635 : i32
      %add3A_637 = arith.constant 144 : i32
      %add3A_638 = arith.addi %mul3A_636, %add3A_637 : i32
      %get3A_639 = arith.index_cast %add3A_638 : i32 to index
      %get3A_640 = tpu.vector_load %arg7[%get3A_639] {strides = array<i32>} : memref<13312xi32, #tpu.memory_space<vmem>>, vector<16xi32>,
      %get3A_641 = vector.shape_cast %get3A_640 : vector<16xi32> to vector<16xi32>
      %add3A_642 = vector.broadcast %mul3A_517 : i32 to vector<16xi32>
      %add3A_643 = arith.addi %get3A_641, %add3A_642 : vector<16xi32>
      %swap3A_644 = arith.index_cast %add3A_638 : i32 to index
      %swap3A_645 = tpu.vector_load %arg7[%swap3A_644] {strides = array<i32>} : memref<13312xi32, #tpu.memory_space<vmem>>, vector<16xi32>,
      %swap3A_646 = vector.shape_cast %swap3A_645 : vector<16xi32> to vector<16xi32>
      %swap3A_647 = vector.shape_cast %add3A_643 : vector<16xi32> to vector<16xi32>
      tpu.vector_store %arg7[%swap3A_644], %swap3A_647 {strides = array<i32>} : memref<13312xi32, #tpu.memory_space<vmem>>, vector<16xi32>,
      %mul3A_648 = arith.constant 512 : i32
      %mul3A_649 = arith.muli %scan3A_514, %mul3A_648 : i32
      %add3A_650 = arith.constant 160 : i32
      %add3A_651 = arith.addi %mul3A_649, %add3A_650 : i32
      %get3A_652 = arith.index_cast %add3A_651 : i32 to index
      %get3A_653 = tpu.vector_load %arg7[%get3A_652] {strides = array<i32>} : memref<13312xi32, #tpu.memory_space<vmem>>, vector<16xi32>,
      %get3A_654 = vector.shape_cast %get3A_653 : vector<16xi32> to vector<16xi32>
      %add3A_655 = vector.broadcast %mul3A_517 : i32 to vector<16xi32>
      %add3A_656 = arith.addi %get3A_654, %add3A_655 : vector<16xi32>
      %swap3A_657 = arith.index_cast %add3A_651 : i32 to index
      %swap3A_658 = tpu.vector_load %arg7[%swap3A_657] {strides = array<i32>} : memref<13312xi32, #tpu.memory_space<vmem>>, vector<16xi32>,
      %swap3A_659 = vector.shape_cast %swap3A_658 : vector<16xi32> to vector<16xi32>
      %swap3A_660 = vector.shape_cast %add3A_656 : vector<16xi32> to vector<16xi32>
      tpu.vector_store %arg7[%swap3A_657], %swap3A_660 {strides = array<i32>} : memref<13312xi32, #tpu.memory_space<vmem>>, vector<16xi32>,
      %mul3A_661 = arith.constant 512 : i32
      %mul3A_662 = arith.muli %scan3A_514, %mul3A_661 : i32
      %add3A_663 = arith.constant 176 : i32
      %add3A_664 = arith.addi %mul3A_662, %add3A_663 : i32
      %get3A_665 = arith.index_cast %add3A_664 : i32 to index
      %get3A_666 = tpu.vector_load %arg7[%get3A_665] {strides = array<i32>} : memref<13312xi32, #tpu.memory_space<vmem>>, vector<16xi32>,
      %get3A_667 = vector.shape_cast %get3A_666 : vector<16xi32> to vector<16xi32>
      %add3A_668 = vector.broadcast %mul3A_517 : i32 to vector<16xi32>
      %add3A_669 = arith.addi %get3A_667, %add3A_668 : vector<16xi32>
      %swap3A_670 = arith.index_cast %add3A_664 : i32 to index
      %swap3A_671 = tpu.vector_load %arg7[%swap3A_670] {strides = array<i32>} : memref<13312xi32, #tpu.memory_space<vmem>>, vector<16xi32>,
      %swap3A_672 = vector.shape_cast %swap3A_671 : vector<16xi32> to vector<16xi32>
      %swap3A_673 = vector.shape_cast %add3A_669 : vector<16xi32> to vector<16xi32>
      tpu.vector_store %arg7[%swap3A_670], %swap3A_673 {strides = array<i32>} : memref<13312xi32, #tpu.memory_space<vmem>>, vector<16xi32>,
      %mul3A_674 = arith.constant 512 : i32
      %mul3A_675 = arith.muli %scan3A_514, %mul3A_674 : i32
      %add3A_676 = arith.constant 192 : i32
      %add3A_677 = arith.addi %mul3A_675, %add3A_676 : i32
      %get3A_678 = arith.index_cast %add3A_677 : i32 to index
      %get3A_679 = tpu.vector_load %arg7[%get3A_678] {strides = array<i32>} : memref<13312xi32, #tpu.memory_space<vmem>>, vector<16xi32>,
      %get3A_680 = vector.shape_cast %get3A_679 : vector<16xi32> to vector<16xi32>
      %add3A_681 = vector.broadcast %mul3A_517 : i32 to vector<16xi32>
      %add3A_682 = arith.addi %get3A_680, %add3A_681 : vector<16xi32>
      %swap3A_683 = arith.index_cast %add3A_677 : i32 to index
      %swap3A_684 = tpu.vector_load %arg7[%swap3A_683] {strides = array<i32>} : memref<13312xi32, #tpu.memory_space<vmem>>, vector<16xi32>,
      %swap3A_685 = vector.shape_cast %swap3A_684 : vector<16xi32> to vector<16xi32>
      %swap3A_686 = vector.shape_cast %add3A_682 : vector<16xi32> to vector<16xi32>
      tpu.vector_store %arg7[%swap3A_683], %swap3A_686 {strides = array<i32>} : memref<13312xi32, #tpu.memory_space<vmem>>, vector<16xi32>,
      %mul3A_687 = arith.constant 512 : i32
      %mul3A_688 = arith.muli %scan3A_514, %mul3A_687 : i32
      %add3A_689 = arith.constant 208 : i32
      %add3A_690 = arith.addi %mul3A_688, %add3A_689 : i32
      %get3A_691 = arith.index_cast %add3A_690 : i32 to index
      %get3A_692 = tpu.vector_load %arg7[%get3A_691] {strides = array<i32>} : memref<13312xi32, #tpu.memory_space<vmem>>, vector<16xi32>,
      %get3A_693 = vector.shape_cast %get3A_692 : vector<16xi32> to vector<16xi32>
      %add3A_694 = vector.broadcast %mul3A_517 : i32 to vector<16xi32>
      %add3A_695 = arith.addi %get3A_693, %add3A_694 : vector<16xi32>
      %swap3A_696 = arith.index_cast %add3A_690 : i32 to index
      %swap3A_697 = tpu.vector_load %arg7[%swap3A_696] {strides = array<i32>} : memref<13312xi32, #tpu.memory_space<vmem>>, vector<16xi32>,
      %swap3A_698 = vector.shape_cast %swap3A_697 : vector<16xi32> to vector<16xi32>
      %swap3A_699 = vector.shape_cast %add3A_695 : vector<16xi32> to vector<16xi32>
      tpu.vector_store %arg7[%swap3A_696], %swap3A_699 {strides = array<i32>} : memref<13312xi32, #tpu.memory_space<vmem>>, vector<16xi32>,
      %mul3A_700 = arith.constant 512 : i32
      %mul3A_701 = arith.muli %scan3A_514, %mul3A_700 : i32
      %add3A_702 = arith.constant 224 : i32
      %add3A_703 = arith.addi %mul3A_701, %add3A_702 : i32
      %get3A_704 = arith.index_cast %add3A_703 : i32 to index
      %get3A_705 = tpu.vector_load %arg7[%get3A_704] {strides = array<i32>} : memref<13312xi32, #tpu.memory_space<vmem>>, vector<16xi32>,
      %get3A_706 = vector.shape_cast %get3A_705 : vector<16xi32> to vector<16xi32>
      %add3A_707 = vector.broadcast %mul3A_517 : i32 to vector<16xi32>
      %add3A_708 = arith.addi %get3A_706, %add3A_707 : vector<16xi32>
      %swap3A_709 = arith.index_cast %add3A_703 : i32 to index
      %swap3A_710 = tpu.vector_load %arg7[%swap3A_709] {strides = array<i32>} : memref<13312xi32, #tpu.memory_space<vmem>>, vector<16xi32>,
      %swap3A_711 = vector.shape_cast %swap3A_710 : vector<16xi32> to vector<16xi32>
      %swap3A_712 = vector.shape_cast %add3A_708 : vector<16xi32> to vector<16xi32>
      tpu.vector_store %arg7[%swap3A_709], %swap3A_712 {strides = array<i32>} : memref<13312xi32, #tpu.memory_space<vmem>>, vector<16xi32>,
      %mul3A_713 = arith.constant 512 : i32
      %mul3A_714 = arith.muli %scan3A_514, %mul3A_713 : i32
      %add3A_715 = arith.constant 240 : i32
      %add3A_716 = arith.addi %mul3A_714, %add3A_715 : i32
      %get3A_717 = arith.index_cast %add3A_716 : i32 to index
      %get3A_718 = tpu.vector_load %arg7[%get3A_717] {strides = array<i32>} : memref<13312xi32, #tpu.memory_space<vmem>>, vector<16xi32>,
      %get3A_719 = vector.shape_cast %get3A_718 : vector<16xi32> to vector<16xi32>
      %add3A_720 = vector.broadcast %mul3A_517 : i32 to vector<16xi32>
      %add3A_721 = arith.addi %get3A_719, %add3A_720 : vector<16xi32>
      %swap3A_722 = arith.index_cast %add3A_716 : i32 to index
      %swap3A_723 = tpu.vector_load %arg7[%swap3A_722] {strides = array<i32>} : memref<13312xi32, #tpu.memory_space<vmem>>, vector<16xi32>,
      %swap3A_724 = vector.shape_cast %swap3A_723 : vector<16xi32> to vector<16xi32>
      %swap3A_725 = vector.shape_cast %add3A_721 : vector<16xi32> to vector<16xi32>
      tpu.vector_store %arg7[%swap3A_722], %swap3A_725 {strides = array<i32>} : memref<13312xi32, #tpu.memory_space<vmem>>, vector<16xi32>,
      %mul3A_726 = arith.constant 512 : i32
      %mul3A_727 = arith.muli %scan3A_514, %mul3A_726 : i32
      %add3A_728 = arith.constant 256 : i32
      %add3A_729 = arith.addi %mul3A_727, %add3A_728 : i32
      %get3A_730 = arith.index_cast %add3A_729 : i32 to index
      %get3A_731 = tpu.vector_load %arg7[%get3A_730] {strides = array<i32>} : memref<13312xi32, #tpu.memory_space<vmem>>, vector<16xi32>,
      %get3A_732 = vector.shape_cast %get3A_731 : vector<16xi32> to vector<16xi32>
      %add3A_733 = vector.broadcast %mul3A_517 : i32 to vector<16xi32>
      %add3A_734 = arith.addi %get3A_732, %add3A_733 : vector<16xi32>
      %swap3A_735 = arith.index_cast %add3A_729 : i32 to index
      %swap3A_736 = tpu.vector_load %arg7[%swap3A_735] {strides = array<i32>} : memref<13312xi32, #tpu.memory_space<vmem>>, vector<16xi32>,
      %swap3A_737 = vector.shape_cast %swap3A_736 : vector<16xi32> to vector<16xi32>
      %swap3A_738 = vector.shape_cast %add3A_734 : vector<16xi32> to vector<16xi32>
      tpu.vector_store %arg7[%swap3A_735], %swap3A_738 {strides = array<i32>} : memref<13312xi32, #tpu.memory_space<vmem>>, vector<16xi32>,
      %mul3A_739 = arith.constant 512 : i32
      %mul3A_740 = arith.muli %scan3A_514, %mul3A_739 : i32
      %add3A_741 = arith.constant 272 : i32
      %add3A_742 = arith.addi %mul3A_740, %add3A_741 : i32
      %get3A_743 = arith.index_cast %add3A_742 : i32 to index
      %get3A_744 = tpu.vector_load %arg7[%get3A_743] {strides = array<i32>} : memref<13312xi32, #tpu.memory_space<vmem>>, vector<16xi32>,
      %get3A_745 = vector.shape_cast %get3A_744 : vector<16xi32> to vector<16xi32>
      %add3A_746 = vector.broadcast %mul3A_517 : i32 to vector<16xi32>
      %add3A_747 = arith.addi %get3A_745, %add3A_746 : vector<16xi32>
      %swap3A_748 = arith.index_cast %add3A_742 : i32 to index
      %swap3A_749 = tpu.vector_load %arg7[%swap3A_748] {strides = array<i32>} : memref<13312xi32, #tpu.memory_space<vmem>>, vector<16xi32>,
      %swap3A_750 = vector.shape_cast %swap3A_749 : vector<16xi32> to vector<16xi32>
      %swap3A_751 = vector.shape_cast %add3A_747 : vector<16xi32> to vector<16xi32>
      tpu.vector_store %arg7[%swap3A_748], %swap3A_751 {strides = array<i32>} : memref<13312xi32, #tpu.memory_space<vmem>>, vector<16xi32>,
      %mul3A_752 = arith.constant 512 : i32
      %mul3A_753 = arith.muli %scan3A_514, %mul3A_752 : i32
      %add3A_754 = arith.constant 288 : i32
      %add3A_755 = arith.addi %mul3A_753, %add3A_754 : i32
      %get3A_756 = arith.index_cast %add3A_755 : i32 to index
      %get3A_757 = tpu.vector_load %arg7[%get3A_756] {strides = array<i32>} : memref<13312xi32, #tpu.memory_space<vmem>>, vector<16xi32>,
      %get3A_758 = vector.shape_cast %get3A_757 : vector<16xi32> to vector<16xi32>
      %add3A_759 = vector.broadcast %mul3A_517 : i32 to vector<16xi32>
      %add3A_760 = arith.addi %get3A_758, %add3A_759 : vector<16xi32>
      %swap3A_761 = arith.index_cast %add3A_755 : i32 to index
      %swap3A_762 = tpu.vector_load %arg7[%swap3A_761] {strides = array<i32>} : memref<13312xi32, #tpu.memory_space<vmem>>, vector<16xi32>,
      %swap3A_763 = vector.shape_cast %swap3A_762 : vector<16xi32> to vector<16xi32>
      %swap3A_764 = vector.shape_cast %add3A_760 : vector<16xi32> to vector<16xi32>
      tpu.vector_store %arg7[%swap3A_761], %swap3A_764 {strides = array<i32>} : memref<13312xi32, #tpu.memory_space<vmem>>, vector<16xi32>,
      %mul3A_765 = arith.constant 512 : i32
      %mul3A_766 = arith.muli %scan3A_514, %mul3A_765 : i32
      %add3A_767 = arith.constant 304 : i32
      %add3A_768 = arith.addi %mul3A_766, %add3A_767 : i32
      %get3A_769 = arith.index_cast %add3A_768 : i32 to index
      %get3A_770 = tpu.vector_load %arg7[%get3A_769] {strides = array<i32>} : memref<13312xi32, #tpu.memory_space<vmem>>, vector<16xi32>,
      %get3A_771 = vector.shape_cast %get3A_770 : vector<16xi32> to vector<16xi32>
      %add3A_772 = vector.broadcast %mul3A_517 : i32 to vector<16xi32>
      %add3A_773 = arith.addi %get3A_771, %add3A_772 : vector<16xi32>
      %swap3A_774 = arith.index_cast %add3A_768 : i32 to index
      %swap3A_775 = tpu.vector_load %arg7[%swap3A_774] {strides = array<i32>} : memref<13312xi32, #tpu.memory_space<vmem>>, vector<16xi32>,
      %swap3A_776 = vector.shape_cast %swap3A_775 : vector<16xi32> to vector<16xi32>
      %swap3A_777 = vector.shape_cast %add3A_773 : vector<16xi32> to vector<16xi32>
      tpu.vector_store %arg7[%swap3A_774], %swap3A_777 {strides = array<i32>} : memref<13312xi32, #tpu.memory_space<vmem>>, vector<16xi32>,
      %mul3A_778 = arith.constant 512 : i32
      %mul3A_779 = arith.muli %scan3A_514, %mul3A_778 : i32
      %add3A_780 = arith.constant 320 : i32
      %add3A_781 = arith.addi %mul3A_779, %add3A_780 : i32
      %get3A_782 = arith.index_cast %add3A_781 : i32 to index
      %get3A_783 = tpu.vector_load %arg7[%get3A_782] {strides = array<i32>} : memref<13312xi32, #tpu.memory_space<vmem>>, vector<16xi32>,
      %get3A_784 = vector.shape_cast %get3A_783 : vector<16xi32> to vector<16xi32>
      %add3A_785 = vector.broadcast %mul3A_517 : i32 to vector<16xi32>
      %add3A_786 = arith.addi %get3A_784, %add3A_785 : vector<16xi32>
      %swap3A_787 = arith.index_cast %add3A_781 : i32 to index
      %swap3A_788 = tpu.vector_load %arg7[%swap3A_787] {strides = array<i32>} : memref<13312xi32, #tpu.memory_space<vmem>>, vector<16xi32>,
      %swap3A_789 = vector.shape_cast %swap3A_788 : vector<16xi32> to vector<16xi32>
      %swap3A_790 = vector.shape_cast %add3A_786 : vector<16xi32> to vector<16xi32>
      tpu.vector_store %arg7[%swap3A_787], %swap3A_790 {strides = array<i32>} : memref<13312xi32, #tpu.memory_space<vmem>>, vector<16xi32>,
      %mul3A_791 = arith.constant 512 : i32
      %mul3A_792 = arith.muli %scan3A_514, %mul3A_791 : i32
      %add3A_793 = arith.constant 336 : i32
      %add3A_794 = arith.addi %mul3A_792, %add3A_793 : i32
      %get3A_795 = arith.index_cast %add3A_794 : i32 to index
      %get3A_796 = tpu.vector_load %arg7[%get3A_795] {strides = array<i32>} : memref<13312xi32, #tpu.memory_space<vmem>>, vector<16xi32>,
      %get3A_797 = vector.shape_cast %get3A_796 : vector<16xi32> to vector<16xi32>
      %add3A_798 = vector.broadcast %mul3A_517 : i32 to vector<16xi32>
      %add3A_799 = arith.addi %get3A_797, %add3A_798 : vector<16xi32>
      %swap3A_800 = arith.index_cast %add3A_794 : i32 to index
      %swap3A_801 = tpu.vector_load %arg7[%swap3A_800] {strides = array<i32>} : memref<13312xi32, #tpu.memory_space<vmem>>, vector<16xi32>,
      %swap3A_802 = vector.shape_cast %swap3A_801 : vector<16xi32> to vector<16xi32>
      %swap3A_803 = vector.shape_cast %add3A_799 : vector<16xi32> to vector<16xi32>
      tpu.vector_store %arg7[%swap3A_800], %swap3A_803 {strides = array<i32>} : memref<13312xi32, #tpu.memory_space<vmem>>, vector<16xi32>,
      %mul3A_804 = arith.constant 512 : i32
      %mul3A_805 = arith.muli %scan3A_514, %mul3A_804 : i32
      %add3A_806 = arith.constant 352 : i32
      %add3A_807 = arith.addi %mul3A_805, %add3A_806 : i32
      %get3A_808 = arith.index_cast %add3A_807 : i32 to index
      %get3A_809 = tpu.vector_load %arg7[%get3A_808] {strides = array<i32>} : memref<13312xi32, #tpu.memory_space<vmem>>, vector<16xi32>,
      %get3A_810 = vector.shape_cast %get3A_809 : vector<16xi32> to vector<16xi32>
      %add3A_811 = vector.broadcast %mul3A_517 : i32 to vector<16xi32>
      %add3A_812 = arith.addi %get3A_810, %add3A_811 : vector<16xi32>
      %swap3A_813 = arith.index_cast %add3A_807 : i32 to index
      %swap3A_814 = tpu.vector_load %arg7[%swap3A_813] {strides = array<i32>} : memref<13312xi32, #tpu.memory_space<vmem>>, vector<16xi32>,
      %swap3A_815 = vector.shape_cast %swap3A_814 : vector<16xi32> to vector<16xi32>
      %swap3A_816 = vector.shape_cast %add3A_812 : vector<16xi32> to vector<16xi32>
      tpu.vector_store %arg7[%swap3A_813], %swap3A_816 {strides = array<i32>} : memref<13312xi32, #tpu.memory_space<vmem>>, vector<16xi32>,
      %mul3A_817 = arith.constant 512 : i32
      %mul3A_818 = arith.muli %scan3A_514, %mul3A_817 : i32
      %add3A_819 = arith.constant 368 : i32
      %add3A_820 = arith.addi %mul3A_818, %add3A_819 : i32
      %get3A_821 = arith.index_cast %add3A_820 : i32 to index
      %get3A_822 = tpu.vector_load %arg7[%get3A_821] {strides = array<i32>} : memref<13312xi32, #tpu.memory_space<vmem>>, vector<16xi32>,
      %get3A_823 = vector.shape_cast %get3A_822 : vector<16xi32> to vector<16xi32>
      %add3A_824 = vector.broadcast %mul3A_517 : i32 to vector<16xi32>
      %add3A_825 = arith.addi %get3A_823, %add3A_824 : vector<16xi32>
      %swap3A_826 = arith.index_cast %add3A_820 : i32 to index
      %swap3A_827 = tpu.vector_load %arg7[%swap3A_826] {strides = array<i32>} : memref<13312xi32, #tpu.memory_space<vmem>>, vector<16xi32>,
      %swap3A_828 = vector.shape_cast %swap3A_827 : vector<16xi32> to vector<16xi32>
      %swap3A_829 = vector.shape_cast %add3A_825 : vector<16xi32> to vector<16xi32>
      tpu.vector_store %arg7[%swap3A_826], %swap3A_829 {strides = array<i32>} : memref<13312xi32, #tpu.memory_space<vmem>>, vector<16xi32>,
      %mul3A_830 = arith.constant 512 : i32
      %mul3A_831 = arith.muli %scan3A_514, %mul3A_830 : i32
      %add3A_832 = arith.constant 384 : i32
      %add3A_833 = arith.addi %mul3A_831, %add3A_832 : i32
      %get3A_834 = arith.index_cast %add3A_833 : i32 to index
      %get3A_835 = tpu.vector_load %arg7[%get3A_834] {strides = array<i32>} : memref<13312xi32, #tpu.memory_space<vmem>>, vector<16xi32>,
      %get3A_836 = vector.shape_cast %get3A_835 : vector<16xi32> to vector<16xi32>
      %add3A_837 = vector.broadcast %mul3A_517 : i32 to vector<16xi32>
      %add3A_838 = arith.addi %get3A_836, %add3A_837 : vector<16xi32>
      %swap3A_839 = arith.index_cast %add3A_833 : i32 to index
      %swap3A_840 = tpu.vector_load %arg7[%swap3A_839] {strides = array<i32>} : memref<13312xi32, #tpu.memory_space<vmem>>, vector<16xi32>,
      %swap3A_841 = vector.shape_cast %swap3A_840 : vector<16xi32> to vector<16xi32>
      %swap3A_842 = vector.shape_cast %add3A_838 : vector<16xi32> to vector<16xi32>
      tpu.vector_store %arg7[%swap3A_839], %swap3A_842 {strides = array<i32>} : memref<13312xi32, #tpu.memory_space<vmem>>, vector<16xi32>,
      %mul3A_843 = arith.constant 512 : i32
      %mul3A_844 = arith.muli %scan3A_514, %mul3A_843 : i32
      %add3A_845 = arith.constant 400 : i32
      %add3A_846 = arith.addi %mul3A_844, %add3A_845 : i32
      %get3A_847 = arith.index_cast %add3A_846 : i32 to index
      %get3A_848 = tpu.vector_load %arg7[%get3A_847] {strides = array<i32>} : memref<13312xi32, #tpu.memory_space<vmem>>, vector<16xi32>,
      %get3A_849 = vector.shape_cast %get3A_848 : vector<16xi32> to vector<16xi32>
      %add3A_850 = vector.broadcast %mul3A_517 : i32 to vector<16xi32>
      %add3A_851 = arith.addi %get3A_849, %add3A_850 : vector<16xi32>
      %swap3A_852 = arith.index_cast %add3A_846 : i32 to index
      %swap3A_853 = tpu.vector_load %arg7[%swap3A_852] {strides = array<i32>} : memref<13312xi32, #tpu.memory_space<vmem>>, vector<16xi32>,
      %swap3A_854 = vector.shape_cast %swap3A_853 : vector<16xi32> to vector<16xi32>
      %swap3A_855 = vector.shape_cast %add3A_851 : vector<16xi32> to vector<16xi32>
      tpu.vector_store %arg7[%swap3A_852], %swap3A_855 {strides = array<i32>} : memref<13312xi32, #tpu.memory_space<vmem>>, vector<16xi32>,
      %mul3A_856 = arith.constant 512 : i32
      %mul3A_857 = arith.muli %scan3A_514, %mul3A_856 : i32
      %add3A_858 = arith.constant 416 : i32
      %add3A_859 = arith.addi %mul3A_857, %add3A_858 : i32
      %get3A_860 = arith.index_cast %add3A_859 : i32 to index
      %get3A_861 = tpu.vector_load %arg7[%get3A_860] {strides = array<i32>} : memref<13312xi32, #tpu.memory_space<vmem>>, vector<16xi32>,
      %get3A_862 = vector.shape_cast %get3A_861 : vector<16xi32> to vector<16xi32>
      %add3A_863 = vector.broadcast %mul3A_517 : i32 to vector<16xi32>
      %add3A_864 = arith.addi %get3A_862, %add3A_863 : vector<16xi32>
      %swap3A_865 = arith.index_cast %add3A_859 : i32 to index
      %swap3A_866 = tpu.vector_load %arg7[%swap3A_865] {strides = array<i32>} : memref<13312xi32, #tpu.memory_space<vmem>>, vector<16xi32>,
      %swap3A_867 = vector.shape_cast %swap3A_866 : vector<16xi32> to vector<16xi32>
      %swap3A_868 = vector.shape_cast %add3A_864 : vector<16xi32> to vector<16xi32>
      tpu.vector_store %arg7[%swap3A_865], %swap3A_868 {strides = array<i32>} : memref<13312xi32, #tpu.memory_space<vmem>>, vector<16xi32>,
      %mul3A_869 = arith.constant 512 : i32
      %mul3A_870 = arith.muli %scan3A_514, %mul3A_869 : i32
      %add3A_871 = arith.constant 432 : i32
      %add3A_872 = arith.addi %mul3A_870, %add3A_871 : i32
      %get3A_873 = arith.index_cast %add3A_872 : i32 to index
      %get3A_874 = tpu.vector_load %arg7[%get3A_873] {strides = array<i32>} : memref<13312xi32, #tpu.memory_space<vmem>>, vector<16xi32>,
      %get3A_875 = vector.shape_cast %get3A_874 : vector<16xi32> to vector<16xi32>
      %add3A_876 = vector.broadcast %mul3A_517 : i32 to vector<16xi32>
      %add3A_877 = arith.addi %get3A_875, %add3A_876 : vector<16xi32>
      %swap3A_878 = arith.index_cast %add3A_872 : i32 to index
      %swap3A_879 = tpu.vector_load %arg7[%swap3A_878] {strides = array<i32>} : memref<13312xi32, #tpu.memory_space<vmem>>, vector<16xi32>,
      %swap3A_880 = vector.shape_cast %swap3A_879 : vector<16xi32> to vector<16xi32>
      %swap3A_881 = vector.shape_cast %add3A_877 : vector<16xi32> to vector<16xi32>
      tpu.vector_store %arg7[%swap3A_878], %swap3A_881 {strides = array<i32>} : memref<13312xi32, #tpu.memory_space<vmem>>, vector<16xi32>,
      %mul3A_882 = arith.constant 512 : i32
      %mul3A_883 = arith.muli %scan3A_514, %mul3A_882 : i32
      %add3A_884 = arith.constant 448 : i32
      %add3A_885 = arith.addi %mul3A_883, %add3A_884 : i32
      %get3A_886 = arith.index_cast %add3A_885 : i32 to index
      %get3A_887 = tpu.vector_load %arg7[%get3A_886] {strides = array<i32>} : memref<13312xi32, #tpu.memory_space<vmem>>, vector<16xi32>,
      %get3A_888 = vector.shape_cast %get3A_887 : vector<16xi32> to vector<16xi32>
      %add3A_889 = vector.broadcast %mul3A_517 : i32 to vector<16xi32>
      %add3A_890 = arith.addi %get3A_888, %add3A_889 : vector<16xi32>
      %swap3A_891 = arith.index_cast %add3A_885 : i32 to index
      %swap3A_892 = tpu.vector_load %arg7[%swap3A_891] {strides = array<i32>} : memref<13312xi32, #tpu.memory_space<vmem>>, vector<16xi32>,
      %swap3A_893 = vector.shape_cast %swap3A_892 : vector<16xi32> to vector<16xi32>
      %swap3A_894 = vector.shape_cast %add3A_890 : vector<16xi32> to vector<16xi32>
      tpu.vector_store %arg7[%swap3A_891], %swap3A_894 {strides = array<i32>} : memref<13312xi32, #tpu.memory_space<vmem>>, vector<16xi32>,
      %mul3A_895 = arith.constant 512 : i32
      %mul3A_896 = arith.muli %scan3A_514, %mul3A_895 : i32
      %add3A_897 = arith.constant 464 : i32
      %add3A_898 = arith.addi %mul3A_896, %add3A_897 : i32
      %get3A_899 = arith.index_cast %add3A_898 : i32 to index
      %get3A_900 = tpu.vector_load %arg7[%get3A_899] {strides = array<i32>} : memref<13312xi32, #tpu.memory_space<vmem>>, vector<16xi32>,
      %get3A_901 = vector.shape_cast %get3A_900 : vector<16xi32> to vector<16xi32>
      %add3A_902 = vector.broadcast %mul3A_517 : i32 to vector<16xi32>
      %add3A_903 = arith.addi %get3A_901, %add3A_902 : vector<16xi32>
      %swap3A_904 = arith.index_cast %add3A_898 : i32 to index
      %swap3A_905 = tpu.vector_load %arg7[%swap3A_904] {strides = array<i32>} : memref<13312xi32, #tpu.memory_space<vmem>>, vector<16xi32>,
      %swap3A_906 = vector.shape_cast %swap3A_905 : vector<16xi32> to vector<16xi32>
      %swap3A_907 = vector.shape_cast %add3A_903 : vector<16xi32> to vector<16xi32>
      tpu.vector_store %arg7[%swap3A_904], %swap3A_907 {strides = array<i32>} : memref<13312xi32, #tpu.memory_space<vmem>>, vector<16xi32>,
      %mul3A_908 = arith.constant 512 : i32
      %mul3A_909 = arith.muli %scan3A_514, %mul3A_908 : i32
      %add3A_910 = arith.constant 480 : i32
      %add3A_911 = arith.addi %mul3A_909, %add3A_910 : i32
      %get3A_912 = arith.index_cast %add3A_911 : i32 to index
      %get3A_913 = tpu.vector_load %arg7[%get3A_912] {strides = array<i32>} : memref<13312xi32, #tpu.memory_space<vmem>>, vector<16xi32>,
      %get3A_914 = vector.shape_cast %get3A_913 : vector<16xi32> to vector<16xi32>
      %add3A_915 = vector.broadcast %mul3A_517 : i32 to vector<16xi32>
      %add3A_916 = arith.addi %get3A_914, %add3A_915 : vector<16xi32>
      %swap3A_917 = arith.index_cast %add3A_911 : i32 to index
      %swap3A_918 = tpu.vector_load %arg7[%swap3A_917] {strides = array<i32>} : memref<13312xi32, #tpu.memory_space<vmem>>, vector<16xi32>,
      %swap3A_919 = vector.shape_cast %swap3A_918 : vector<16xi32> to vector<16xi32>
      %swap3A_920 = vector.shape_cast %add3A_916 : vector<16xi32> to vector<16xi32>
      tpu.vector_store %arg7[%swap3A_917], %swap3A_920 {strides = array<i32>} : memref<13312xi32, #tpu.memory_space<vmem>>, vector<16xi32>,
      %mul3A_921 = arith.constant 512 : i32
      %mul3A_922 = arith.muli %scan3A_514, %mul3A_921 : i32
      %add3A_923 = arith.constant 496 : i32
      %add3A_924 = arith.addi %mul3A_922, %add3A_923 : i32
      %get3A_925 = arith.index_cast %add3A_924 : i32 to index
      %get3A_926 = tpu.vector_load %arg7[%get3A_925] {strides = array<i32>} : memref<13312xi32, #tpu.memory_space<vmem>>, vector<16xi32>,
      %get3A_927 = vector.shape_cast %get3A_926 : vector<16xi32> to vector<16xi32>
      %add3A_928 = vector.broadcast %mul3A_517 : i32 to vector<16xi32>
      %add3A_929 = arith.addi %get3A_927, %add3A_928 : vector<16xi32>
      %swap3A_930 = arith.index_cast %add3A_924 : i32 to index
      %swap3A_931 = tpu.vector_load %arg7[%swap3A_930] {strides = array<i32>} : memref<13312xi32, #tpu.memory_space<vmem>>, vector<16xi32>,
      %swap3A_932 = vector.shape_cast %swap3A_931 : vector<16xi32> to vector<16xi32>
      %swap3A_933 = vector.shape_cast %add3A_929 : vector<16xi32> to vector<16xi32>
      tpu.vector_store %arg7[%swap3A_930], %swap3A_933 {strides = array<i32>} : memref<13312xi32, #tpu.memory_space<vmem>>, vector<16xi32>,
      %scan3A_934 = arith.constant 0 : i32
      scf.yield %scan3A_934 : i32
    }
    %scan3A_482 = arith.constant 26 : i32
    %mul3A_483 = arith.constant 0 : i32
    %mul3A_484 = vector.broadcast %mul3A_483 : i32 to vector<16xi32>
    %mul3A_485 = arith.muli %iota3A, %mul3A_484 : vector<16xi32>
    %swap3A = arith.constant 0 : index
    %swap3A_486 = tpu.vector_load %arg10[%swap3A] {strides = array<i32>} : memref<16xi32, #tpu.memory_space<vmem>>, vector<16xi32>,
    %swap3A_487 = vector.shape_cast %swap3A_486 : vector<16xi32> to vector<16xi32>
    %swap3A_488 = vector.shape_cast %mul3A_485 : vector<16xi32> to vector<16xi32>
    tpu.vector_store %arg10[%swap3A], %swap3A_488 {strides = array<i32>} : memref<16xi32, #tpu.memory_space<vmem>>, vector<16xi32>,
    %dma_start3A_489 = arith.constant 0 : i32
    %dma_start3A_490 = tpu.memref_slice %arg10[%dma_start3A_489] : memref<16xi32, #tpu.memory_space<vmem>> -> memref<16xi32, #tpu.memory_space<vmem>>
    %dma_start3A_491 = arith.constant 0 : i32
    %dma_start3A_492 = tpu.memref_slice %arg4[%dma_start3A_491] : memref<1xf32, #tpu.memory_space<hbm>> -> memref<1xf32, #tpu.memory_space<hbm>>
    tpu.enqueue_indirect_dma source(%dma_start3A_492 : memref<1xf32, #tpu.memory_space<hbm>>) target(%arg11 : memref<16xf32, #tpu.memory_space<vmem>>) offsets(%dma_start3A_490 : memref<16xi32, #tpu.memory_space<vmem>>) semaphore(%arg12 : memref<!tpu.dma_semaphore, #tpu.memory_space<semaphore_mem>>)
    %dma_wait3A_493 = arith.constant 0 : i32
    %dma_wait3A_494 = tpu.memref_slice %arg10[%dma_wait3A_493] : memref<16xi32, #tpu.memory_space<vmem>> -> memref<16xi32, #tpu.memory_space<vmem>>
    %dma_wait3A_495 = arith.constant 0 : i32
    %dma_wait3A_496 = tpu.memref_slice %arg4[%dma_wait3A_495] : memref<1xf32, #tpu.memory_space<hbm>> -> memref<1xf32, #tpu.memory_space<hbm>>
    tpu.wait_indirect_dma semaphore(%arg12 : memref<!tpu.dma_semaphore, #tpu.memory_space<semaphore_mem>>) src(%dma_wait3A_496 : memref<1xf32, #tpu.memory_space<hbm>>) dst(%arg11 : memref<16xf32, #tpu.memory_space<vmem>>)
    %get3A = arith.constant 0 : index
    %get3A_497 = tpu.vector_load %arg11[%get3A] {strides = array<i32>} : memref<16xf32, #tpu.memory_space<vmem>>, vector<16xf32>,
    %get3A_498 = vector.shape_cast %get3A_497 : vector<16xf32> to vector<16xf32>
    %dma_wait3A_499 = arith.constant 0 : i32
    %dma_wait3A_500 = tpu.memref_slice %arg6[%mul3A_6] : memref<1040000xf32, #tpu.memory_space<vmem_shared>> -> memref<65000xf32, #tpu.memory_space<vmem_shared>>
    %dma_wait3A_501 = tpu.memref_slice %arg3[%dma_wait3A_499, %mul3A_4] : memref<1x1040000xf32, #tpu.memory_space<hbm>> -> memref<1x65000xf32, #tpu.memory_space<hbm>>
    %dma_wait3A_502 = tpu.memref_squeeze %dma_wait3A_501 : memref<1x65000xf32, #tpu.memory_space<hbm>> -> memref<65000xf32, #tpu.memory_space<hbm>>
    tpu.wait_dma2 semaphore(%arg13 : memref<!tpu.dma_semaphore, #tpu.memory_space<semaphore_mem>>) src(%dma_wait3A_502 : memref<65000xf32, #tpu.memory_space<hbm>>) dst(%dma_wait3A_500 : memref<65000xf32, #tpu.memory_space<vmem_shared>>)
    %barrier3A = arith.constant 0 : index
    tpu.barrier barrier_id(%barrier3A)
    %dma_start3A_503 = arith.constant 0 : i32
    %dma_start3A_504 = tpu.memref_slice %arg6[%dma_start3A_503] : memref<1040000xf32, #tpu.memory_space<vmem_shared>> -> memref<1040000xf32, #tpu.memory_space<vmem_shared>>
    tpu.enqueue_indirect_dma source(%dma_start3A_504 : memref<1040000xf32, #tpu.memory_space<vmem_shared>>) target(%arg8 : memref<13312xf32, #tpu.memory_space<vmem>>) offsets(%arg7 : memref<13312xi32, #tpu.memory_space<vmem>>) semaphore(%arg12 : memref<!tpu.dma_semaphore, #tpu.memory_space<semaphore_mem>>)
    %dma_wait3A_505 = arith.constant 0 : i32
    %dma_wait3A_506 = tpu.memref_slice %arg6[%dma_wait3A_505] : memref<1040000xf32, #tpu.memory_space<vmem_shared>> -> memref<1040000xf32, #tpu.memory_space<vmem_shared>>
    tpu.wait_indirect_dma semaphore(%arg12 : memref<!tpu.dma_semaphore, #tpu.memory_space<semaphore_mem>>) src(%dma_wait3A_506 : memref<1040000xf32, #tpu.memory_space<vmem_shared>>) dst(%arg8 : memref<13312xf32, #tpu.memory_space<vmem>>)
    %scan3A_507 = arith.constant 0 : i32
    %scan3A_508 = arith.constant 0 : i32
    %scan3A_509 = arith.constant 32 : i32
    %scan3A_510 = arith.addi %scan3A_508, %scan3A_509 : i32
    %scan3A_511 = arith.constant 1 : i32
    %scan3A_512 = scf.for %scan3A_514 = %scan3A_508 to %scan3A_510 step %scan3A_511 iter_args(%scan3A_515 = %scan3A_507) -> (i32)  : i32 {
      %mul3A_516 = arith.constant 16 : i32
      %mul3A_517 = arith.muli %scan3A_514, %mul3A_516 : i32
      %get3A_518 = arith.index_cast %mul3A_517 : i32 to index
      %get3A_519 = tpu.vector_load %arg8[%get3A_518] {strides = array<i32>} : memref<13312xf32, #tpu.memory_space<vmem>>, vector<16xf32>,
      %get3A_520 = vector.shape_cast %get3A_519 : vector<16xf32> to vector<16xf32>
      %add3A_521 = arith.addf %get3A_498, %get3A_520 : vector<16xf32>
      %add3A_522 = arith.constant 512 : i32
      %add3A_523 = arith.addi %add3A_522, %mul3A_517 : i32
      %get3A_524 = arith.index_cast %add3A_523 : i32 to index
      %get3A_525 = tpu.vector_load %arg8[%get3A_524] {strides = array<i32>} : memref<13312xf32, #tpu.memory_space<vmem>>, vector<16xf32>,
      %get3A_526 = vector.shape_cast %get3A_525 : vector<16xf32> to vector<16xf32>
      %add3A_527 = arith.addf %add3A_521, %get3A_526 : vector<16xf32>
      %add3A_528 = arith.constant 1024 : i32
      %add3A_529 = arith.addi %add3A_528, %mul3A_517 : i32
      %get3A_530 = arith.index_cast %add3A_529 : i32 to index
      %get3A_531 = tpu.vector_load %arg8[%get3A_530] {strides = array<i32>} : memref<13312xf32, #tpu.memory_space<vmem>>, vector<16xf32>,
      %get3A_532 = vector.shape_cast %get3A_531 : vector<16xf32> to vector<16xf32>
      %add3A_533 = arith.addf %add3A_527, %get3A_532 : vector<16xf32>
      %add3A_534 = arith.constant 1536 : i32
      %add3A_535 = arith.addi %add3A_534, %mul3A_517 : i32
      %get3A_536 = arith.index_cast %add3A_535 : i32 to index
      %get3A_537 = tpu.vector_load %arg8[%get3A_536] {strides = array<i32>} : memref<13312xf32, #tpu.memory_space<vmem>>, vector<16xf32>,
      %get3A_538 = vector.shape_cast %get3A_537 : vector<16xf32> to vector<16xf32>
      %add3A_539 = arith.addf %add3A_533, %get3A_538 : vector<16xf32>
      %add3A_540 = arith.constant 2048 : i32
      %add3A_541 = arith.addi %add3A_540, %mul3A_517 : i32
      %get3A_542 = arith.index_cast %add3A_541 : i32 to index
      %get3A_543 = tpu.vector_load %arg8[%get3A_542] {strides = array<i32>} : memref<13312xf32, #tpu.memory_space<vmem>>, vector<16xf32>,
      %get3A_544 = vector.shape_cast %get3A_543 : vector<16xf32> to vector<16xf32>
      %add3A_545 = arith.addf %add3A_539, %get3A_544 : vector<16xf32>
      %add3A_546 = arith.constant 2560 : i32
      %add3A_547 = arith.addi %add3A_546, %mul3A_517 : i32
      %get3A_548 = arith.index_cast %add3A_547 : i32 to index
      %get3A_549 = tpu.vector_load %arg8[%get3A_548] {strides = array<i32>} : memref<13312xf32, #tpu.memory_space<vmem>>, vector<16xf32>,
      %get3A_550 = vector.shape_cast %get3A_549 : vector<16xf32> to vector<16xf32>
      %add3A_551 = arith.addf %add3A_545, %get3A_550 : vector<16xf32>
      %add3A_552 = arith.constant 3072 : i32
      %add3A_553 = arith.addi %add3A_552, %mul3A_517 : i32
      %get3A_554 = arith.index_cast %add3A_553 : i32 to index
      %get3A_555 = tpu.vector_load %arg8[%get3A_554] {strides = array<i32>} : memref<13312xf32, #tpu.memory_space<vmem>>, vector<16xf32>,
      %get3A_556 = vector.shape_cast %get3A_555 : vector<16xf32> to vector<16xf32>
      %add3A_557 = arith.addf %add3A_551, %get3A_556 : vector<16xf32>
      %add3A_558 = arith.constant 3584 : i32
      %add3A_559 = arith.addi %add3A_558, %mul3A_517 : i32
      %get3A_560 = arith.index_cast %add3A_559 : i32 to index
      %get3A_561 = tpu.vector_load %arg8[%get3A_560] {strides = array<i32>} : memref<13312xf32, #tpu.memory_space<vmem>>, vector<16xf32>,
      %get3A_562 = vector.shape_cast %get3A_561 : vector<16xf32> to vector<16xf32>
      %add3A_563 = arith.addf %add3A_557, %get3A_562 : vector<16xf32>
      %add3A_564 = arith.constant 4096 : i32
      %add3A_565 = arith.addi %add3A_564, %mul3A_517 : i32
      %get3A_566 = arith.index_cast %add3A_565 : i32 to index
      %get3A_567 = tpu.vector_load %arg8[%get3A_566] {strides = array<i32>} : memref<13312xf32, #tpu.memory_space<vmem>>, vector<16xf32>,
      %get3A_568 = vector.shape_cast %get3A_567 : vector<16xf32> to vector<16xf32>
      %add3A_569 = arith.addf %add3A_563, %get3A_568 : vector<16xf32>
      %add3A_570 = arith.constant 4608 : i32
      %add3A_571 = arith.addi %add3A_570, %mul3A_517 : i32
      %get3A_572 = arith.index_cast %add3A_571 : i32 to index
      %get3A_573 = tpu.vector_load %arg8[%get3A_572] {strides = array<i32>} : memref<13312xf32, #tpu.memory_space<vmem>>, vector<16xf32>,
      %get3A_574 = vector.shape_cast %get3A_573 : vector<16xf32> to vector<16xf32>
      %add3A_575 = arith.addf %add3A_569, %get3A_574 : vector<16xf32>
      %add3A_576 = arith.constant 5120 : i32
      %add3A_577 = arith.addi %add3A_576, %mul3A_517 : i32
      %get3A_578 = arith.index_cast %add3A_577 : i32 to index
      %get3A_579 = tpu.vector_load %arg8[%get3A_578] {strides = array<i32>} : memref<13312xf32, #tpu.memory_space<vmem>>, vector<16xf32>,
      %get3A_580 = vector.shape_cast %get3A_579 : vector<16xf32> to vector<16xf32>
      %add3A_581 = arith.addf %add3A_575, %get3A_580 : vector<16xf32>
      %add3A_582 = arith.constant 5632 : i32
      %add3A_583 = arith.addi %add3A_582, %mul3A_517 : i32
      %get3A_584 = arith.index_cast %add3A_583 : i32 to index
      %get3A_585 = tpu.vector_load %arg8[%get3A_584] {strides = array<i32>} : memref<13312xf32, #tpu.memory_space<vmem>>, vector<16xf32>,
      %get3A_586 = vector.shape_cast %get3A_585 : vector<16xf32> to vector<16xf32>
      %add3A_587 = arith.addf %add3A_581, %get3A_586 : vector<16xf32>
      %add3A_588 = arith.constant 6144 : i32
      %add3A_589 = arith.addi %add3A_588, %mul3A_517 : i32
      %get3A_590 = arith.index_cast %add3A_589 : i32 to index
      %get3A_591 = tpu.vector_load %arg8[%get3A_590] {strides = array<i32>} : memref<13312xf32, #tpu.memory_space<vmem>>, vector<16xf32>,
      %get3A_592 = vector.shape_cast %get3A_591 : vector<16xf32> to vector<16xf32>
      %add3A_593 = arith.addf %add3A_587, %get3A_592 : vector<16xf32>
      %add3A_594 = arith.constant 6656 : i32
      %add3A_595 = arith.addi %add3A_594, %mul3A_517 : i32
      %get3A_596 = arith.index_cast %add3A_595 : i32 to index
      %get3A_597 = tpu.vector_load %arg8[%get3A_596] {strides = array<i32>} : memref<13312xf32, #tpu.memory_space<vmem>>, vector<16xf32>,
      %get3A_598 = vector.shape_cast %get3A_597 : vector<16xf32> to vector<16xf32>
      %add3A_599 = arith.addf %add3A_593, %get3A_598 : vector<16xf32>
      %add3A_600 = arith.constant 7168 : i32
      %add3A_601 = arith.addi %add3A_600, %mul3A_517 : i32
      %get3A_602 = arith.index_cast %add3A_601 : i32 to index
      %get3A_603 = tpu.vector_load %arg8[%get3A_602] {strides = array<i32>} : memref<13312xf32, #tpu.memory_space<vmem>>, vector<16xf32>,
      %get3A_604 = vector.shape_cast %get3A_603 : vector<16xf32> to vector<16xf32>
      %add3A_605 = arith.addf %add3A_599, %get3A_604 : vector<16xf32>
      %add3A_606 = arith.constant 7680 : i32
      %add3A_607 = arith.addi %add3A_606, %mul3A_517 : i32
      %get3A_608 = arith.index_cast %add3A_607 : i32 to index
      %get3A_609 = tpu.vector_load %arg8[%get3A_608] {strides = array<i32>} : memref<13312xf32, #tpu.memory_space<vmem>>, vector<16xf32>,
      %get3A_610 = vector.shape_cast %get3A_609 : vector<16xf32> to vector<16xf32>
      %add3A_611 = arith.addf %add3A_605, %get3A_610 : vector<16xf32>
      %add3A_612 = arith.constant 8192 : i32
      %add3A_613 = arith.addi %add3A_612, %mul3A_517 : i32
      %get3A_614 = arith.index_cast %add3A_613 : i32 to index
      %get3A_615 = tpu.vector_load %arg8[%get3A_614] {strides = array<i32>} : memref<13312xf32, #tpu.memory_space<vmem>>, vector<16xf32>,
      %get3A_616 = vector.shape_cast %get3A_615 : vector<16xf32> to vector<16xf32>
      %add3A_617 = arith.addf %add3A_611, %get3A_616 : vector<16xf32>
      %add3A_618 = arith.constant 8704 : i32
      %add3A_619 = arith.addi %add3A_618, %mul3A_517 : i32
      %get3A_620 = arith.index_cast %add3A_619 : i32 to index
      %get3A_621 = tpu.vector_load %arg8[%get3A_620] {strides = array<i32>} : memref<13312xf32, #tpu.memory_space<vmem>>, vector<16xf32>,
      %get3A_622 = vector.shape_cast %get3A_621 : vector<16xf32> to vector<16xf32>
      %add3A_623 = arith.addf %add3A_617, %get3A_622 : vector<16xf32>
      %add3A_624 = arith.constant 9216 : i32
      %add3A_625 = arith.addi %add3A_624, %mul3A_517 : i32
      %get3A_626 = arith.index_cast %add3A_625 : i32 to index
      %get3A_627 = tpu.vector_load %arg8[%get3A_626] {strides = array<i32>} : memref<13312xf32, #tpu.memory_space<vmem>>, vector<16xf32>,
      %get3A_628 = vector.shape_cast %get3A_627 : vector<16xf32> to vector<16xf32>
      %add3A_629 = arith.addf %add3A_623, %get3A_628 : vector<16xf32>
      %add3A_630 = arith.constant 9728 : i32
      %add3A_631 = arith.addi %add3A_630, %mul3A_517 : i32
      %get3A_632 = arith.index_cast %add3A_631 : i32 to index
      %get3A_633 = tpu.vector_load %arg8[%get3A_632] {strides = array<i32>} : memref<13312xf32, #tpu.memory_space<vmem>>, vector<16xf32>,
      %get3A_634 = vector.shape_cast %get3A_633 : vector<16xf32> to vector<16xf32>
      %add3A_635 = arith.addf %add3A_629, %get3A_634 : vector<16xf32>
      %add3A_636 = arith.constant 10240 : i32
      %add3A_637 = arith.addi %add3A_636, %mul3A_517 : i32
      %get3A_638 = arith.index_cast %add3A_637 : i32 to index
      %get3A_639 = tpu.vector_load %arg8[%get3A_638] {strides = array<i32>} : memref<13312xf32, #tpu.memory_space<vmem>>, vector<16xf32>,
      %get3A_640 = vector.shape_cast %get3A_639 : vector<16xf32> to vector<16xf32>
      %add3A_641 = arith.addf %add3A_635, %get3A_640 : vector<16xf32>
      %add3A_642 = arith.constant 10752 : i32
      %add3A_643 = arith.addi %add3A_642, %mul3A_517 : i32
      %get3A_644 = arith.index_cast %add3A_643 : i32 to index
      %get3A_645 = tpu.vector_load %arg8[%get3A_644] {strides = array<i32>} : memref<13312xf32, #tpu.memory_space<vmem>>, vector<16xf32>,
      %get3A_646 = vector.shape_cast %get3A_645 : vector<16xf32> to vector<16xf32>
      %add3A_647 = arith.addf %add3A_641, %get3A_646 : vector<16xf32>
      %add3A_648 = arith.constant 11264 : i32
      %add3A_649 = arith.addi %add3A_648, %mul3A_517 : i32
      %get3A_650 = arith.index_cast %add3A_649 : i32 to index
      %get3A_651 = tpu.vector_load %arg8[%get3A_650] {strides = array<i32>} : memref<13312xf32, #tpu.memory_space<vmem>>, vector<16xf32>,
      %get3A_652 = vector.shape_cast %get3A_651 : vector<16xf32> to vector<16xf32>
      %add3A_653 = arith.addf %add3A_647, %get3A_652 : vector<16xf32>
      %add3A_654 = arith.constant 11776 : i32
      %add3A_655 = arith.addi %add3A_654, %mul3A_517 : i32
      %get3A_656 = arith.index_cast %add3A_655 : i32 to index
      %get3A_657 = tpu.vector_load %arg8[%get3A_656] {strides = array<i32>} : memref<13312xf32, #tpu.memory_space<vmem>>, vector<16xf32>,
      %get3A_658 = vector.shape_cast %get3A_657 : vector<16xf32> to vector<16xf32>
      %add3A_659 = arith.addf %add3A_653, %get3A_658 : vector<16xf32>
      %add3A_660 = arith.constant 12288 : i32
      %add3A_661 = arith.addi %add3A_660, %mul3A_517 : i32
      %get3A_662 = arith.index_cast %add3A_661 : i32 to index
      %get3A_663 = tpu.vector_load %arg8[%get3A_662] {strides = array<i32>} : memref<13312xf32, #tpu.memory_space<vmem>>, vector<16xf32>,
      %get3A_664 = vector.shape_cast %get3A_663 : vector<16xf32> to vector<16xf32>
      %add3A_665 = arith.addf %add3A_659, %get3A_664 : vector<16xf32>
      %add3A_666 = arith.constant 12800 : i32
      %add3A_667 = arith.addi %add3A_666, %mul3A_517 : i32
      %get3A_668 = arith.index_cast %add3A_667 : i32 to index
      %get3A_669 = tpu.vector_load %arg8[%get3A_668] {strides = array<i32>} : memref<13312xf32, #tpu.memory_space<vmem>>, vector<16xf32>,
      %get3A_670 = vector.shape_cast %get3A_669 : vector<16xf32> to vector<16xf32>
      %add3A_671 = arith.addf %add3A_665, %get3A_670 : vector<16xf32>
      %swap3A_672 = arith.index_cast %mul3A_517 : i32 to index
      %swap3A_673 = tpu.vector_load %arg9[%swap3A_672] {strides = array<i32>} : memref<512xf32, #tpu.memory_space<vmem>>, vector<16xf32>,
      %swap3A_674 = vector.shape_cast %swap3A_673 : vector<16xf32> to vector<16xf32>
      %swap3A_675 = vector.shape_cast %add3A_671 : vector<16xf32> to vector<16xf32>
      tpu.vector_store %arg9[%swap3A_672], %swap3A_675 {strides = array<i32>} : memref<512xf32, #tpu.memory_space<vmem>>, vector<16xf32>,
      %scan3A_676 = arith.constant 0 : i32
      scf.yield %scan3A_676 : i32
    }
    %scan3A_513 = arith.constant 32 : i32
    "tpu.region"() ({
      %run_scoped3A = tpu.sem_alloc : memref<!tpu.dma_semaphore, #tpu.memory_space<semaphore_mem>>
      %dma_start3A_514 = arith.constant 0 : i32
      %dma_start3A_515 = tpu.memref_slice %arg9[%dma_start3A_514] : memref<512xf32, #tpu.memory_space<vmem>> -> memref<512xf32, #tpu.memory_space<vmem>>
      %dma_start3A_516 = tpu.memref_slice %arg5[%mul3A_2] : memref<16384xf32, #tpu.memory_space<hbm>> -> memref<512xf32, #tpu.memory_space<hbm>>
      %dma_start3A_517 = tpu.memref_slice %arg5[%mul3A_2] : memref<16384xf32, #tpu.memory_space<hbm>> -> memref<512xf32, #tpu.memory_space<hbm>>
      %dma_start3A_518 = arith.constant 0 : i32
      %dma_start3A_519 = tpu.memref_slice %arg9[%dma_start3A_518] : memref<512xf32, #tpu.memory_space<vmem>> -> memref<512xf32, #tpu.memory_space<vmem>>
      tpu.enqueue_dma source(%dma_start3A_519 : memref<512xf32, #tpu.memory_space<vmem>>) target(%dma_start3A_517 : memref<512xf32, #tpu.memory_space<hbm>>) target_semaphore(%run_scoped3A : memref<!tpu.dma_semaphore, #tpu.memory_space<semaphore_mem>>)
      %dma_wait3A_520 = arith.constant 0 : i32
      %dma_wait3A_521 = tpu.memref_slice %arg9[%dma_wait3A_520] : memref<512xf32, #tpu.memory_space<vmem>> -> memref<512xf32, #tpu.memory_space<vmem>>
      %dma_wait3A_522 = tpu.memref_slice %arg5[%mul3A_2] : memref<16384xf32, #tpu.memory_space<hbm>> -> memref<512xf32, #tpu.memory_space<hbm>>
      %dma_wait3A_523 = tpu.memref_slice %arg5[%mul3A_2] : memref<16384xf32, #tpu.memory_space<hbm>> -> memref<512xf32, #tpu.memory_space<hbm>>
      %dma_wait3A_524 = arith.constant 0 : i32
      %dma_wait3A_525 = tpu.memref_slice %arg9[%dma_wait3A_524] : memref<512xf32, #tpu.memory_space<vmem>> -> memref<512xf32, #tpu.memory_space<vmem>>
      tpu.wait_dma2 semaphore(%run_scoped3A : memref<!tpu.dma_semaphore, #tpu.memory_space<semaphore_mem>>) src(%dma_wait3A_525 : memref<512xf32, #tpu.memory_space<vmem>>) dst(%dma_wait3A_523 : memref<512xf32, #tpu.memory_space<hbm>>)
      tpu.yield
    }) : () -> ()
    return
  }
}

</mosaic_0001>

<sc_bundles>
// kernel: _sc_lookup.3.cloned.1.call-start
scs
__scs_entry_jumppad:
0x0: {  	(pc) =	sbr.rel $0x88, $3  }
0x1: {  	(tag) =	ssettag $0x0;
	lr =	simm.s32 $0x1  }
0x2: {  	[smem:$0x3F9E] =	sst lr;
	_ =	strace $0xD0000000  }
0x3: {  	_ = 	snop  }
0x4: {  	_ = 	snop  }
0x5: {  	_ = 	snop  }
0x6: {  	_ = 	snop  }
0x7: {  	_ = 	snop  }
__scs_overlays_trampoline_lowered:
0x8: {  	[smem:$0x3FAD] =	sst s0  }
0x9: {  	[smem:$0x3FAE] =	sst s1  }
0xa: {  	[smem:$0x3FAF] =	sst s2  }
0xb: {  	[smem:$0x3FB0] =	sst s3  }
0xc: {  	[smem:$0x3FB1] =	sst s4  }
0xd: {  	[smem:$0x3FB2] =	sst s5  }
0xe: {  	[smem:$0x3FB3] =	sst s6  }
0xf: {  	[smem:$0x3FB4] =	sst s7  }
0x10: {  	[smem:$0x3FB5] =	sst s8  }
0x11: {  	[smem:$0x3FB6] =	sst s9;
	s0 =	simm.s32 @!p0 $0x0  }
0x12: {  	s1 =	sld [smem:$0x3F9C];
	s0 =	simm.s32 @p0 $0x1  }
0x13: {  	[smem:$0x3FB7] =	sst s0;
	s0 =	simm.s32 @!p1 $0x0  }
0x14: {  	s2 =	sld [smem:$0x3F9B];
	s0 =	simm.s32 @p1 $0x1  }
0x15: {  	[smem:$0x3FB8] =	sst s0;
	s0 =	simm.s32 @!p2 $0x0  }
0x16: {  	s3 =	sld [smem:$0x3FDB];
	s0 =	simm.s32 @p2 $0x1  }
0x17: {  	s4 =	simm.s32 $0x1BF5;
	[smem:$0x3FBA] =	sst s0  }
0x18: {  	s0 =	sld [smem:$0x3F9D];
	_ =	swait.ge [sflag:s4], $0x0  }
0x19: {  	s7 =	sld [smem:$0x3F9E]  }
0x1a: {  	s8 =	sadd.s32 $0xFFFFE003, lr  }
0x1b: {  	s9 =	sadd.s32 $0xFFFFFEF7, lr;
	s5 =	simm.s32 $0xFFFFFFFF;
	p2 =	slt.u32 s8, $0xFFFFF086  }
0x1c: {  	p1 =	slt.u32 s9, $0xF7A;
	s5 =	simm.s32 @!p2 $0x0  }
0x1d: {  	s5 =	simm.s32 @p1 $0x1;
	p0 =	seq.s32 s7, s2  }
0x1e: {  	s7 =	smul.u32 @!p0 $0xF7A, s2;
	p2 =	seq.s32 @!p0 s5, $0x0  }
0x1f: {  	s9 =	smul.u32 $0xF7A, s1;
	s8 =	simm.s32 @!p0 $0x1BF5;
	p2 =	por !p2, p0  }
0x20: {  	[sflag:s8] =	ssyncset.s32 @!p0 $0xFFFFF086;
	s6 =	sadd.s32 @!p0 s3, s7;
	s7 =	simm.s32 @!p0 $0x108  }
0x21: {  	s3 =	sadd.s32 s3, s9;
	s6 =	sadd.s32 @!p0 $0x88, s6;
	s7 =	simm.s32 @p2 $0x1082  }
0x22: {  	[simem:s7], [sflag:s8] =	dma.local @!p0 [hbm:s6], $0xF7A  }
0x23: {  	s9 =	sor.u32 $0xD0000000, s2;
	s6 =	simm.s32 $0x108;
	_ =	swait.ge @!p0 [sflag:s8], $0x0  }
0x24: {  	s3 =	sadd.s32 $0x88, s3;
	s6 =	simm.s32 @!p1 $0x1082;
	[sflag:s4] =	ssyncset.s32 $0xFFFFF086  }
0x25: {  	[simem:s6], [sflag:s4] =	dma.local [hbm:s3], $0xF7A  }
0x26: {  	[smem:$0x3F9E] =	sst s1;
	(tag) =	ssettag s2;
	_ =	strace s9  }
0x27: {  	s1 =	sld [smem:$0x3FAE]  }
0x28: {  	s2 =	sld [smem:$0x3FAF]  }
0x29: {  	s4 =	sld [smem:$0x3FB1]  }
0x2a: {  	p0 =	seq.s32 s5, $0x0;
	s5 =	sld [smem:$0x3FB2]  }
0x2b: {  	s6 =	sld [smem:$0x3FB3]  }
0x2c: {  	s7 =	sld [smem:$0x3FB4]  }
0x2d: {  	s3 =	simm.s32 $0x108;
	s8 =	sld [smem:$0x3FB5]  }
0x2e: {  	s3 =	simm.s32 @!p0 $0x1082;
	s9 =	sld [smem:$0x3FB6]  }
0x2f: {  	lr =	sadd.s32 s0, s3;
	s0 =	sld [smem:$0x3FAD]  }
0x30: {  	s3 =	sld [smem:$0x3FB0]  }
0x31: {  	[smem:$0x3FB9] =	sst s10  }
0x32: {  	s10 =	sld [smem:$0x3FB7];
	_ =	sdelay $0x3  }
0x33: {  	p0 =	seq.s32 s10, $0x1;
	s10 =	sld [smem:$0x3FB9];
	_ =	sdelay $0x3  }
0x34: {  	[smem:$0x3FB9] =	sst s10  }
0x35: {  	s10 =	sld [smem:$0x3FB8];
	_ =	sdelay $0x3  }
0x36: {  	p1 =	seq.s32 s10, $0x1;
	s10 =	sld [smem:$0x3FB9];
	_ =	sdelay $0x3  }
0x37: {  	[smem:$0x3FB9] =	sst s10  }
0x38: {  	s10 =	sld [smem:$0x3FBA]  }
0x39: {  	_ = 	snop;
	(pc) =	sbr.ind lr, $3  }
0x3a: {  	_ = 	snop  }
0x3b: {  	_ = 	snop  }
0x3c: {  	p2 =	seq.s32 s10, $0x1;
	s10 =	sld [smem:$0x3FB9]  }
0x3d: {  	_ =	shalt  }
0x3e: {  	_ =	shalt  }
0x3f: {  	_ =	shalt  }
0x40: {  	_ =	shalt  }
0x41: {  	_ =	shalt  }
0x42: {  	_ =	shalt  }
0x43: {  	_ =	shalt  }
0x44: {  	_ =	shalt  }
0x45: {  	_ =	shalt  }
0x46: {  	_ =	shalt  }
0x47: {  	_ =	shalt  }
0x48: {  	_ =	shalt  }
0x49: {  	_ =	shalt  }
0x4a: {  	_ =	shalt  }
0x4b: {  	_ =	shalt  }
0x4c: {  	_ =	shalt  }
0x4d: {  	_ =	shalt  }
0x4e: {  	_ =	shalt  }
0x4f: {  	_ =	shalt  }
0x50: {  	_ =	shalt  }
0x51: {  	_ =	shalt  }
0x52: {  	_ =	shalt  }
0x53: {  	_ =	shalt  }
0x54: {  	_ =	shalt  }
0x55: {  	_ =	shalt  }
0x56: {  	_ =	shalt  }
0x57: {  	_ =	shalt  }
0x58: {  	_ =	shalt  }
0x59: {  	_ =	shalt  }
0x5a: {  	_ =	shalt  }
0x5b: {  	_ =	shalt  }
0x5c: {  	_ =	shalt  }
0x5d: {  	_ =	shalt  }
0x5e: {  	_ =	shalt  }
0x5f: {  	_ =	shalt  }
0x60: {  	_ =	shalt  }
0x61: {  	_ =	shalt  }
0x62: {  	_ =	shalt  }
0x63: {  	_ =	shalt  }
0x64: {  	_ =	shalt  }
0x65: {  	_ =	shalt  }
0x66: {  	_ =	shalt  }
0x67: {  	_ =	shalt  }
0x68: {  	_ =	shalt  }
0x69: {  	_ =	shalt  }
0x6a: {  	_ =	shalt  }
0x6b: {  	_ =	shalt  }
0x6c: {  	_ =	shalt  }
0x6d: {  	_ =	shalt  }
0x6e: {  	_ =	shalt  }
0x6f: {  	_ =	shalt  }
0x70: {  	_ =	shalt  }
0x71: {  	_ =	shalt  }
0x72: {  	_ =	shalt  }
0x73: {  	_ =	shalt  }
0x74: {  	_ =	shalt  }
0x75: {  	_ =	shalt  }
0x76: {  	_ =	shalt  }
0x77: {  	_ =	shalt  }
0x78: {  	_ =	shalt  }
0x79: {  	_ =	shalt  }
0x7a: {  	_ =	shalt  }
0x7b: {  	_ =	shalt  }
0x7c: {  	_ =	shalt  }
0x7d: {  	_ =	shalt  }
0x7e: {  	_ =	shalt  }
0x7f: {  	_ =	shalt  }
0x80: {  	_ =	shalt  }
0x81: {  	_ =	shalt  }
0x82: {  	_ =	shalt  }
0x83: {  	_ =	shalt  }
0x84: {  	_ =	shalt  }
0x85: {  	_ =	shalt  }
0x86: {  	_ =	shalt  }
0x87: {  	_ =	shalt  }
.Lfunc_end0:
.L_simem_size_0:
called_computation_lowered:
.L_overlay_start_0:
0x88: {  	s2 =	sld [smem:$0x3FD9]  }
0x89: {  	s3 =	sld [smem:$0x3FFE];
	_ =	sdelay $0x1  }
0x8a: {  	s1 =	srdreg.scid  }
0x8b: {  	s0 =	sand.u32 $0x1, s1  }
0x8c: {  	s17 =	sshll.u32 s0, $0xA;
	s2 =	sadd.s32 s3, s2  }
0x8d: {  	s2 =	sadd.s32 s2, s17  }
0x8e: {  	[smem:$0x3FC5] =	sst s2  }
0x8f: {  	_ = 	snop  }
0x90: {  	s2 =	sld [smem:$0x3FC7]  }
0x91: {  	s18 =	sld [smem:$0x3FD0];
	(tm) =	ssettm $0x1  }
0x92: {  	s4 =	sld [smem:$0x3FFB];
	_ =	sdelay $0x3  }
0x93: {  	_ =	strace s4  }
0x94: {  	s4 =	sld [smem:$0x3FFC];
	_ =	sdelay $0x3  }
0x95: {  	_ =	strace s4  }
0x96: {  	s4 =	sld [smem:$0x3FFD];
	_ =	sdelay $0x3  }
0x97: {  	_ =	strace s4  }
0x98: {  	_ =	strace $0x8FFFFFFF  }
0x99: {  	s19 =	sld [smem:$0x3FDB];
	_ =	sdelay $0x1  }
0x9a: {  	s5 =	simm.s32 $_scs_section_size  }
0x9b: {  	s6 =	simm.s32 $_size__tile_overlayer_lowered;
	s7 =	simm.s32 $_tile_overlayer_lowered  }
0x9c: {  	s22 =	simm.s32 $0x1BFF;
	s21 =	sshll.u32 s7, $0x1;
	s4 =	sadd.s32 s5, s19  }
0x9d: {  	s8 =	simm.s32 $0x0;
	s20 =	sshll.u32 s6, $0x1;
	s6 =	sadd.s32 s21, s4  }
0x9e: {  	[timem:s8], [sflag:s22] =	dma.local [hbm:s6], s20  }
0x9f: {  	_ =	swait.ge [sflag:s22], s20  }
0xa0: {  	s5 =	ssub.s32 $0x0, s20;
	[sflag:s22] =	ssyncset.done $0x0  }
0xa1: {  	[sflag:s22] =	ssyncadd.s32 s5;
	_ =	sdelay $0x1  }
0xa2: {  	s23 =	simm.s32 $0x1B8B  }
0xa3: {  	_ =	swait.ge [sflag:s23], $0x1  }
0xa4: {  	[sflag:s23] =	ssyncset.done $0x0  }
0xa5: {  	s25 =	simm.s32 $0x1B8E;
	s24 =	sld [smem:$0x3FFE];
	[sflag:s23] =	ssyncadd.s32 $0xFFFFFFFF  }
0xa6: {  	s26 =	simm.s32 $execute0_lowered;
	[smem:$0x3FD2] =	sst s25  }
0xa7: {  	s6 =	sshll.u32 s26, $0x1;
	_ =	strace $0x80000046;
	[dreg:$0x1] =	wrdreg $0xFFFFFFFF  }
0xa8: {  	s28 =	simm.s32 $_size_execute0_lowered;
	s4 =	sadd.s32 s4, s6;
	[dreg:$0x0] =	wrdreg $0x0  }
0xa9: {  	s6 =	sshll.u32 s28, $0x1;
	[dreg:$0x2] =	wrdreg s4  }
0xaa: {  	[dreg:$0x3] =	wrdreg s6  }
0xab: {  	[dreg:$0x4] =	wrdreg $0xC0  }
0xac: {  	_ =	task [dreg:s8], $0x5FFFF  }
0xad: {  	[dreg:$0x1] =	wrdreg $0xFFFFFFFF  }
0xae: {  	[dreg:$0x0] =	wrdreg $0x60  }
0xaf: {  	[dreg:$0x2] =	wrdreg s24  }
0xb0: {  	[dreg:$0x3] =	wrdreg s2  }
0xb1: {  	[dreg:$0x4] =	wrdreg s18  }
0xb2: {  	[dreg:$0x5] =	wrdreg $0x0  }
0xb3: {  	[dreg:$0x6] =	wrdreg $0x9  }
0xb4: {  	_ =	task.clear_ibuf [dreg:s8], $0x7FFFF;
	_ =	strace $0x90000046  }
0xb5: {  	s29 =	simm.s32 $0x9;
	_ =	strace $0x80000048  }
0xb6: {  	_ =	swait.ge [sflag:s29], $0x1  }
0xb7: {  	[sflag:s29] =	ssyncadd.s32 $0xFFFFFFFF  }
0xb8: {  	_ =	strace $0x90000048  }
0xb9: {  	_ =	sfence  }
0xba: {  	s30 =	sld [smem:$0x0];
	_ =	sdelay $0x2  }
0xbb: {  	s31 =	sshll.u32 s1, $0xD;
	s1 =	sshrl.u32 s1, $0x2  }
0xbc: {  	s3 =	sand.u32 $0x4000, s31;
	s1 =	sadd.s32 s1, s30  }
0xbd: {  	s0 =	sor.u32 s3, s0;
	s1 =	sshll.u32 s1, $0x11  }
0xbe: {  	s0 =	sor.u32 s1, s0  }
0xbf: {  	s0 =	sadd.s32 $0x8F2B, s0  }
0xc0: {  	[sflag:s0] =	ssyncadd.remote.s32 $0x1  }
0xc1: {  	_ =	sfence.sel $0xFFFF  }
0xc2: {  	[dreg:$0x0] =	wrdreg $0xFFFFFFFF;
	(pc) =	sbr.abs _section_cstart, $3  }
0xc3: {  	[dreg:$0x1] =	wrdreg $0xFFFFFFFF  }
0xc4: {  	_ =	task.clear_ibuf [dreg:s8], $0x2FFFF;
	_ =	strace $0x9FFFFFFF  }
0xc5: {  	(tm) =	ssettm $0x7FFFFFFF  }
tec
execute0_lowered:
.L_overlay_start_1:
0x0: {  	(tag) =	ssettag $0x1  }
0x1: {  	s0 =	rddreg [dreg:$0x0]  }
0x2: {  	s1 =	rddreg [dreg:$0x2]  }
0x3: {  	s11 =	rddreg [dreg:$0x3]  }
0x4: {  	s10 =	stileid.u32;
	s4 =	simm.s32 $0x0;
	s3 =	srdreg.scid  }
0x5: {  	s2 =	smul.u32 $0xFDE8, s10;
	[smem:$0x7FF] =	sst s4;
	s3 =	sand.u32 $0x1, s3  }
0x6: {  	s8 =	sshll.u32 s10, $0x7;
	s16 =	sshll.u32 s10, $0x6;
	s10 =	simm.s32 $0x3  }
0x7: {  	_ =	strace $0x80000047;
	s6 =	ssub.s32 $0x2, s3;
	s3 =	sshll.u32 s3, $0x6  }
0x8: {  	s18 =	sor.u32 $0x1C02, s16;
	s5 =	sshrl.u32 s2, $0x3;
	s7 =	sshrl.u32 s6, $0x1  }
0x9: {  	s3 =	sor.u32 s3, s8;
	s2 =	sadd.s32 s2, s11;
	[dreg:$0x6] =	wrdreg s18  }
0xa: {  	s8 =	simm.s32 $0x1;
	s11 =	simm.s32 $0x0;
	s9 =	sadd.s32 s5, s0  }
0xb: {  	s6 =	ssub.s32 s6, s7;
	s5 =	sadd.s32 s0, s3;
	s17 =	sadd.s32 $0xD000, s9  }
0xc: {  	s7 =	simm.s32 $0xFDE8;
	s19 =	sadd.s32 $0x800, s5;
	[dreg:$0x5] =	wrdreg s17  }
0xd: {  	s20 =	sadd.s32 $0x1000, s5;
	s21 =	sadd.s32 $0x1800, s5;
	[dreg:$0x7] =	wrdreg s19  }
0xe: {  	s22 =	sadd.s32 $0x2000, s5;
	s23 =	sadd.s32 $0x2800, s5;
	[dreg:$0x8] =	wrdreg s20  }
0xf: {  	s24 =	sadd.s32 $0x3000, s5;
	s25 =	sadd.s32 $0x3800, s5;
	[dreg:$0x9] =	wrdreg s21  }
0x10: {  	s26 =	sadd.s32 $0x4000, s5;
	s16 =	sadd.s32 $0x4800, s5;
	[dreg:$0xa] =	wrdreg s22  }
0x11: {  	s18 =	sadd.s32 $0x5800, s5;
	s28 =	sadd.s32 $0x8800, s5;
	[dreg:$0xb] =	wrdreg s23  }
0x12: {  	s29 =	sadd.s32 $0x9000, s5;
	s30 =	sadd.s32 $0x9800, s5;
	[dreg:$0xc] =	wrdreg s24  }
0x13: {  	s31 =	sadd.s32 $0xA000, s5;
	s0 =	sadd.s32 $0xA800, s5;
	[dreg:$0xd] =	wrdreg s25  }
0x14: {  	s9 =	simm.s32 $0x2;
	[dreg:$0xe] =	wrdreg s26;
	s17 =	sadd.s32 $0x5000, s5  }
0x15: {  	s19 =	sadd.s32 $0x6000, s5;
	s20 =	sadd.s32 $0x6800, s5;
	s21 =	sadd.s32 $0x7000, s5  }
0x16: {  	s22 =	sadd.s32 s1, s3;
	s23 =	sadd.s32 $0x7800, s5;
	s24 =	smax.u32 s6, $0x1  }
0x17: {  	s25 =	sshrl.u32 s2, $0x3;
	s26 =	sadd.s32 $0x8000, s5;
	s1 =	sadd.s32 $0xB000, s5  }
0x18: {  	v0 =	vimm.s32 $0x0;
	s2 =	sadd.s32 $0xB800, s5;
	s3 =	sadd.s32 $0xC000, s5;
	s6 =	sadd.s32 $0xC800, s5  }
.LBB2_1:
0x19: {  	s12 =	rddreg [dreg:$0x5]  }
0x1a: {  	s13 =	rddreg [dreg:$0x6]  }
0x1b: {  	[spmem:s25], [sflag:s13] =	dma.local [hbm:s12], $0x1FBD  }
0x1c: {  	[tilespmem:s7], [sflag:$0x1] =	stream.linear.gather [hbm4b:s5+s4], $0x200, $0x38;
	[tilespmem:$0x16808] =	vst v63  }
0x1d: {  	s15 =	simm.s32 $0xFFE8;
	s12 =	rddreg [dreg:$0x7]  }
0x1e: {  	[tilespmem:s15], [sflag:$0x1] =	stream.linear.gather [hbm4b:s12+s4], $0x200, $0x38;
	[tilespmem:$0x16808] =	vst v63  }
0x1f: {  	s14 =	rddreg [dreg:$0x8];
	s15 =	simm.s32 $0x101E8  }
0x20: {  	[tilespmem:s15], [sflag:$0x1] =	stream.linear.gather [hbm4b:s14+s4], $0x200, $0x38;
	[tilespmem:$0x16808] =	vst v63  }
0x21: {  	s14 =	rddreg [dreg:$0x9];
	s15 =	simm.s32 $0x103E8  }
0x22: {  	[tilespmem:s15], [sflag:$0x1] =	stream.linear.gather [hbm4b:s14+s4], $0x200, $0x38;
	[tilespmem:$0x16808] =	vst v63  }
0x23: {  	s14 =	rddreg [dreg:$0xa];
	s15 =	simm.s32 $0x105E8  }
0x24: {  	[tilespmem:s15], [sflag:$0x1] =	stream.linear.gather [hbm4b:s14+s4], $0x200, $0x38;
	[tilespmem:$0x16808] =	vst v63  }
0x25: {  	s14 =	rddreg [dreg:$0xb];
	s15 =	simm.s32 $0x107E8  }
0x26: {  	[tilespmem:s15], [sflag:$0x1] =	stream.linear.gather [hbm4b:s14+s4], $0x200, $0x38;
	[tilespmem:$0x16808] =	vst v63  }
0x27: {  	s14 =	rddreg [dreg:$0xc];
	s15 =	simm.s32 $0x109E8  }
0x28: {  	[tilespmem:s15], [sflag:$0x1] =	stream.linear.gather [hbm4b:s14+s4], $0x200, $0x38;
	[tilespmem:$0x16808] =	vst v63  }
0x29: {  	s14 =	rddreg [dreg:$0xd];
	s15 =	simm.s32 $0x10BE8  }
0x2a: {  	[tilespmem:s15], [sflag:$0x1] =	stream.linear.gather [hbm4b:s14+s4], $0x200, $0x38;
	[tilespmem:$0x16808] =	vst v63  }
0x2b: {  	s14 =	rddreg [dreg:$0xe];
	s15 =	simm.s32 $0x10DE8  }
0x2c: {  	[tilespmem:s15], [sflag:$0x1] =	stream.linear.gather [hbm4b:s14+s4], $0x200, $0x38;
	[tilespmem:$0x16808] =	vst v63  }
0x2d: {  	s14 =	simm.s32 $0x10FE8  }
0x2e: {  	[tilespmem:s14], [sflag:$0x1] =	stream.linear.gather [hbm4b:s16+s4], $0x200, $0x38;
	[tilespmem:$0x16808] =	vst v63  }
0x2f: {  	s15 =	simm.s32 $0x111E8  }
0x30: {  	[tilespmem:s15], [sflag:$0x1] =	stream.linear.gather [hbm4b:s17+s4], $0x200, $0x38;
	[tilespmem:$0x16808] =	vst v63  }
0x31: {  	s13 =	simm.s32 $0x113E8  }
0x32: {  	[tilespmem:s13], [sflag:$0x1] =	stream.linear.gather [hbm4b:s18+s4], $0x200, $0x38;
	[tilespmem:$0x16808] =	vst v63  }
0x33: {  	s14 =	simm.s32 $0x115E8  }
0x34: {  	[tilespmem:s14], [sflag:$0x1] =	stream.linear.gather [hbm4b:s19+s4], $0x200, $0x38;
	[tilespmem:$0x16808] =	vst v63  }
0x35: {  	s15 =	simm.s32 $0x117E8  }
0x36: {  	[tilespmem:s15], [sflag:$0x1] =	stream.linear.gather [hbm4b:s20+s4], $0x200, $0x38;
	[tilespmem:$0x16808] =	vst v63  }
0x37: {  	s13 =	simm.s32 $0x119E8  }
0x38: {  	[tilespmem:s13], [sflag:$0x1] =	stream.linear.gather [hbm4b:s21+s4], $0x200, $0x38;
	[tilespmem:$0x16808] =	vst v63  }
0x39: {  	s14 =	simm.s32 $0x11BE8  }
0x3a: {  	[tilespmem:s14], [sflag:$0x1] =	stream.linear.gather [hbm4b:s23+s4], $0x200, $0x38;
	[tilespmem:$0x16808] =	vst v63  }
0x3b: {  	s15 =	simm.s32 $0x11DE8  }
0x3c: {  	[tilespmem:s15], [sflag:$0x1] =	stream.linear.gather [hbm4b:s26+s4], $0x200, $0x38;
	[tilespmem:$0x16808] =	vst v63  }
0x3d: {  	s13 =	simm.s32 $0x11FE8  }
0x3e: {  	[tilespmem:s13], [sflag:$0x1] =	stream.linear.gather [hbm4b:s28+s4], $0x200, $0x38;
	[tilespmem:$0x16808] =	vst v63  }
0x3f: {  	s14 =	simm.s32 $0x121E8  }
0x40: {  	[tilespmem:s14], [sflag:$0x1] =	stream.linear.gather [hbm4b:s29+s4], $0x200, $0x38;
	[tilespmem:$0x16808] =	vst v63  }
0x41: {  	s15 =	simm.s32 $0x123E8  }
0x42: {  	[tilespmem:s15], [sflag:$0x1] =	stream.linear.gather [hbm4b:s30+s4], $0x200, $0x38;
	[tilespmem:$0x16808] =	vst v63  }
0x43: {  	s13 =	simm.s32 $0x125E8  }
0x44: {  	[tilespmem:s13], [sflag:$0x1] =	stream.linear.gather [hbm4b:s31+s4], $0x200, $0x38;
	[tilespmem:$0x16808] =	vst v63  }
0x45: {  	s14 =	simm.s32 $0x127E8  }
0x46: {  	[tilespmem:s14], [sflag:$0x1] =	stream.linear.gather [hbm4b:s0+s4], $0x200, $0x38;
	[tilespmem:$0x16808] =	vst v63  }
0x47: {  	s15 =	simm.s32 $0x129E8  }
0x48: {  	[tilespmem:s15], [sflag:$0x1] =	stream.linear.gather [hbm4b:s1+s4], $0x200, $0x38;
	[tilespmem:$0x16808] =	vst v63  }
0x49: {  	s13 =	simm.s32 $0x12BE8  }
0x4a: {  	[tilespmem:s13], [sflag:$0x1] =	stream.linear.gather [hbm4b:s2+s4], $0x200, $0x38;
	[tilespmem:$0x16808] =	vst v63  }
0x4b: {  	s14 =	simm.s32 $0x12DE8  }
0x4c: {  	[tilespmem:s14], [sflag:$0x1] =	stream.linear.gather [hbm4b:s3+s4], $0x200, $0x38;
	[tilespmem:$0x16808] =	vst v63  }
0x4d: {  	s15 =	simm.s32 $0x12FE8  }
0x4e: {  	[tilespmem:s15], [sflag:$0x1] =	stream.linear.gather [hbm4b:s6+s4], $0x200, $0x38;
	[tilespmem:$0x16808] =	vst v63  }
0x4f: {  	_ =	swait.ge [sflag:s8], $0x200  }
0x50: {  	[sflag:s8] =	ssyncset.done $0x0  }
0x51: {  	[sflag:s8] =	ssyncadd.s32 $0xFFFFFE00  }
0x52: {  	_ =	swait.ge [sflag:s8], $0x200  }
0x53: {  	[sflag:s8] =	ssyncset.done $0x0  }
0x54: {  	[sflag:s8] =	ssyncadd.s32 $0xFFFFFE00  }
0x55: {  	_ =	swait.ge [sflag:s8], $0x200  }
0x56: {  	[sflag:s8] =	ssyncset.done $0x0  }
0x57: {  	[sflag:s8] =	ssyncadd.s32 $0xFFFFFE00  }
0x58: {  	_ =	swait.ge [sflag:s8], $0x200  }
0x59: {  	[sflag:s8] =	ssyncset.done $0x0  }
0x5a: {  	[sflag:s8] =	ssyncadd.s32 $0xFFFFFE00  }
0x5b: {  	_ =	swait.ge [sflag:s8], $0x200  }
0x5c: {  	[sflag:s8] =	ssyncset.done $0x0  }
0x5d: {  	[sflag:s8] =	ssyncadd.s32 $0xFFFFFE00  }
0x5e: {  	_ =	swait.ge [sflag:s8], $0x200  }
0x5f: {  	[sflag:s8] =	ssyncset.done $0x0  }
0x60: {  	[sflag:s8] =	ssyncadd.s32 $0xFFFFFE00  }
0x61: {  	_ =	swait.ge [sflag:s8], $0x200  }
0x62: {  	[sflag:s8] =	ssyncset.done $0x0  }
0x63: {  	[sflag:s8] =	ssyncadd.s32 $0xFFFFFE00  }
0x64: {  	_ =	swait.ge [sflag:s8], $0x200  }
0x65: {  	[sflag:s8] =	ssyncset.done $0x0  }
0x66: {  	[sflag:s8] =	ssyncadd.s32 $0xFFFFFE00  }
0x67: {  	_ =	swait.ge [sflag:s8], $0x200  }
0x68: {  	[sflag:s8] =	ssyncset.done $0x0  }
0x69: {  	[sflag:s8] =	ssyncadd.s32 $0xFFFFFE00  }
0x6a: {  	_ =	swait.ge [sflag:s8], $0x200  }
0x6b: {  	[sflag:s8] =	ssyncset.done $0x0  }
0x6c: {  	[sflag:s8] =	ssyncadd.s32 $0xFFFFFE00  }
0x6d: {  	_ =	swait.ge [sflag:s8], $0x200  }
0x6e: {  	[sflag:s8] =	ssyncset.done $0x0  }
0x6f: {  	[sflag:s8] =	ssyncadd.s32 $0xFFFFFE00  }
0x70: {  	_ =	swait.ge [sflag:s8], $0x200  }
0x71: {  	[sflag:s8] =	ssyncset.done $0x0  }
0x72: {  	[sflag:s8] =	ssyncadd.s32 $0xFFFFFE00  }
0x73: {  	_ =	swait.ge [sflag:s8], $0x200  }
0x74: {  	[sflag:s8] =	ssyncset.done $0x0  }
0x75: {  	[sflag:s8] =	ssyncadd.s32 $0xFFFFFE00  }
0x76: {  	_ =	swait.ge [sflag:s8], $0x200  }
0x77: {  	[sflag:s8] =	ssyncset.done $0x0  }
0x78: {  	[sflag:s8] =	ssyncadd.s32 $0xFFFFFE00  }
0x79: {  	_ =	swait.ge [sflag:s8], $0x200  }
0x7a: {  	[sflag:s8] =	ssyncset.done $0x0  }
0x7b: {  	[sflag:s8] =	ssyncadd.s32 $0xFFFFFE00  }
0x7c: {  	_ =	swait.ge [sflag:s8], $0x200  }
0x7d: {  	[sflag:s8] =	ssyncset.done $0x0  }
0x7e: {  	[sflag:s8] =	ssyncadd.s32 $0xFFFFFE00  }
0x7f: {  	_ =	swait.ge [sflag:s8], $0x200  }
0x80: {  	[sflag:s8] =	ssyncset.done $0x0  }
0x81: {  	[sflag:s8] =	ssyncadd.s32 $0xFFFFFE00  }
0x82: {  	_ =	swait.ge [sflag:s8], $0x200  }
0x83: {  	[sflag:s8] =	ssyncset.done $0x0  }
0x84: {  	[sflag:s8] =	ssyncadd.s32 $0xFFFFFE00  }
0x85: {  	_ =	swait.ge [sflag:s8], $0x200  }
0x86: {  	[sflag:s8] =	ssyncset.done $0x0  }
0x87: {  	[sflag:s8] =	ssyncadd.s32 $0xFFFFFE00  }
0x88: {  	_ =	swait.ge [sflag:s8], $0x200  }
0x89: {  	[sflag:s8] =	ssyncset.done $0x0  }
0x8a: {  	[sflag:s8] =	ssyncadd.s32 $0xFFFFFE00  }
0x8b: {  	_ =	swait.ge [sflag:s8], $0x200  }
0x8c: {  	[sflag:s8] =	ssyncset.done $0x0  }
0x8d: {  	[sflag:s8] =	ssyncadd.s32 $0xFFFFFE00  }
0x8e: {  	_ =	swait.ge [sflag:s8], $0x200  }
0x8f: {  	[sflag:s8] =	ssyncset.done $0x0  }
0x90: {  	[sflag:s8] =	ssyncadd.s32 $0xFFFFFE00  }
0x91: {  	_ =	swait.ge [sflag:s8], $0x200  }
0x92: {  	[sflag:s8] =	ssyncset.done $0x0  }
0x93: {  	[sflag:s8] =	ssyncadd.s32 $0xFFFFFE00  }
0x94: {  	_ =	swait.ge [sflag:s8], $0x200  }
0x95: {  	[sflag:s8] =	ssyncset.done $0x0  }
0x96: {  	[sflag:s8] =	ssyncadd.s32 $0xFFFFFE00  }
0x97: {  	_ =	swait.ge [sflag:s8], $0x200  }
0x98: {  	[sflag:s8] =	ssyncset.done $0x0  }
0x99: {  	[sflag:s8] =	ssyncadd.s32 $0xFFFFFE00  }
0x9a: {  	_ =	swait.ge [sflag:s8], $0x200  }
0x9b: {  	[sflag:s8] =	ssyncset.done $0x0  }
0x9c: {  	s12 =	simm.s32 $0xFEE8;
	[sflag:s8] =	ssyncadd.s32 $0xFFFFFE00  }
0x9d: {  	v1 =	vld [tilespmem:s12+$0xFFFFFF00]  }
0x9e: {  	v2 =	vld [tilespmem:s12+$0xFFFFFF10]  }
0x9f: {  	v3 =	vld [tilespmem:s12+$0xFFFFFF20]  }
0xa0: {  	v4 =	vld [tilespmem:s12+$0xFFFFFF30]  }
0xa1: {  	v5 =	vld [tilespmem:s12+$0xFFFFFF40]  }
0xa2: {  	v6 =	vld [tilespmem:s12+$0xFFFFFF50];
	v1 =	vadd.s32 s4, v1  }
0xa3: {  	[tilespmem:s12+$0xFFFFFF00] =	vst v1;
	v1 =	vadd.s32 s4, v2;
	v2 =	vld [tilespmem:s12+$0xFFFFFF60]  }
0xa4: {  	[tilespmem:s12+$0xFFFFFF10] =	vst v1;
	v1 =	vadd.s32 s4, v3;
	v3 =	vld [tilespmem:s12+$0xFFFFFF70]  }
0xa5: {  	[tilespmem:s12+$0xFFFFFF20] =	vst v1;
	v1 =	vadd.s32 s4, v4;
	v4 =	vld [tilespmem:s12+$0xFFFFFF80]  }
0xa6: {  	[tilespmem:s12+$0xFFFFFF30] =	vst v1;
	v1 =	vadd.s32 s4, v5;
	v5 =	vld [tilespmem:s12+$0xFFFFFF90]  }
0xa7: {  	[tilespmem:s12+$0xFFFFFF40] =	vst v1;
	v1 =	vadd.s32 s4, v6;
	v6 =	vld [tilespmem:s12+$0xFFFFFFA0]  }
0xa8: {  	[tilespmem:s12+$0xFFFFFF50] =	vst v1;
	v1 =	vadd.s32 s4, v2;
	v2 =	vld [tilespmem:s12+$0xFFFFFFB0]  }
0xa9: {  	[tilespmem:s12+$0xFFFFFF60] =	vst v1;
	v1 =	vadd.s32 s4, v3;
	v3 =	vld [tilespmem:s12+$0xFFFFFFC0]  }
0xaa: {  	[tilespmem:s12+$0xFFFFFF70] =	vst v1;
	v1 =	vadd.s32 s4, v4;
	v4 =	vld [tilespmem:s12+$0xFFFFFFD0]  }
0xab: {  	[tilespmem:s12+$0xFFFFFF80] =	vst v1;
	v1 =	vadd.s32 s4, v5;
	v5 =	vld [tilespmem:s12+$0xFFFFFFE0]  }
0xac: {  	[tilespmem:s12+$0xFFFFFF90] =	vst v1;
	v1 =	vadd.s32 s4, v6;
	v6 =	vld [tilespmem:s12+$0x0]  }
0xad: {  	[tilespmem:s12+$0xFFFFFFA0] =	vst v1;
	v1 =	vadd.s32 s4, v2;
	v2 =	vld [tilespmem:s12+$0x10]  }
0xae: {  	[tilespmem:s12+$0xFFFFFFB0] =	vst v1;
	v1 =	vadd.s32 s4, v3;
	v3 =	vld [tilespmem:s12+$0x20]  }
0xaf: {  	[tilespmem:s12+$0xFFFFFFC0] =	vst v1;
	v1 =	vadd.s32 s4, v4;
	v4 =	vld [tilespmem:s12+$0x30]  }
0xb0: {  	[tilespmem:s12+$0xFFFFFFD0] =	vst v1;
	v1 =	vadd.s32 s4, v5;
	v5 =	vld [tilespmem:s12+$0x40]  }
0xb1: {  	[tilespmem:s12+$0xFFFFFFE0] =	vst v1;
	v1 =	vadd.s32 s4, v6;
	v6 =	vld [tilespmem:s12+$0x50]  }
0xb2: {  	[tilespmem:s12+$0x0] =	vst v1;
	v1 =	vadd.s32 s4, v2;
	v2 =	vld [tilespmem:s12+$0x60]  }
0xb3: {  	[tilespmem:s12+$0x10] =	vst v1;
	v1 =	vadd.s32 s4, v3;
	v3 =	vld [tilespmem:s12+$0x70]  }
0xb4: {  	[tilespmem:s12+$0x20] =	vst v1;
	v1 =	vadd.s32 s4, v4;
	v4 =	vld [tilespmem:s12+$0x80]  }
0xb5: {  	[tilespmem:s12+$0x30] =	vst v1;
	v1 =	vadd.s32 s4, v5;
	v5 =	vld [tilespmem:s12+$0x90]  }
0xb6: {  	[tilespmem:s12+$0x40] =	vst v1;
	v1 =	vadd.s32 s4, v6;
	v6 =	vld [tilespmem:s12+$0xA0]  }
0xb7: {  	[tilespmem:s12+$0x50] =	vst v1;
	v2 =	vadd.s32 s4, v2;
	v1 =	vld [tilespmem:s12+$0xB0]  }
0xb8: {  	[tilespmem:s12+$0x60] =	vst v2;
	v3 =	vadd.s32 s4, v3;
	v2 =	vld [tilespmem:s12+$0xC0]  }
0xb9: {  	[tilespmem:s12+$0x70] =	vst v3;
	v4 =	vadd.s32 s4, v4;
	v3 =	vld [tilespmem:s12+$0xD0]  }
0xba: {  	[tilespmem:s12+$0x80] =	vst v4;
	v5 =	vadd.s32 s4, v5;
	v4 =	vld [tilespmem:s12+$0xE0]  }
0xbb: {  	s13 =	simm.s32 $0x0;
	s14 =	simm.s32 $0x9C40;
	s15 =	simm.s32 $0xFEE8;
	[tilespmem:s12+$0x90] =	vst v5;
	v6 =	vadd.s32 s4, v6;
	v5 =	vld [tilespmem:s12+$0xF0]  }
.LBB2_2:
0xbc: {  	p0 =	sne.s32 s14, $0xF4240;
	v7 =	vld [tilespmem:s12+$0xFFFFFFF0];
	[tilespmem:s12+$0xA0] =	vst v6;
	v1 =	vadd.s32 s13, v1;
	s15 =	sadd.s32 $0x200, s15  }
0xbd: {  	v6 =	vld [tilespmem:s15+$0xFFFFFF00];
	[tilespmem:s12+$0xB0] =	vst v1;
	v1 =	vadd.s32 s13, v2  }
0xbe: {  	v2 =	vld [tilespmem:s15+$0xFFFFFF10];
	[tilespmem:s12+$0xC0] =	vst v1;
	v1 =	vadd.s32 s13, v3  }
0xbf: {  	v3 =	vld [tilespmem:s15+$0xFFFFFF20];
	[tilespmem:s12+$0xD0] =	vst v1;
	v1 =	vadd.s32 s13, v4  }
0xc0: {  	v4 =	vld [tilespmem:s15+$0xFFFFFF30];
	[tilespmem:s12+$0xE0] =	vst v1;
	v1 =	vadd.s32 s13, v5  }
0xc1: {  	v5 =	vld [tilespmem:s15+$0xFFFFFF40];
	v7 =	vadd.s32 s13, v7;
	[tilespmem:s12+$0xF0] =	vst v1;
	s13 =	smov.u32 s14  }
0xc2: {  	v1 =	vadd.s32 s14, v6;
	v6 =	vld [tilespmem:s15+$0xFFFFFF50];
	[tilespmem:s12+$0xFFFFFFF0] =	vst v7;
	s12 =	smov.u32 s15  }
0xc3: {  	[tilespmem:s15+$0xFFFFFF00] =	vst v1;
	v1 =	vadd.s32 s14, v2;
	v2 =	vld [tilespmem:s15+$0xFFFFFF60]  }
0xc4: {  	[tilespmem:s15+$0xFFFFFF10] =	vst v1;
	v1 =	vadd.s32 s14, v3;
	v3 =	vld [tilespmem:s15+$0xFFFFFF70]  }
0xc5: {  	[tilespmem:s15+$0xFFFFFF20] =	vst v1;
	v1 =	vadd.s32 s14, v4;
	v4 =	vld [tilespmem:s15+$0xFFFFFF80]  }
0xc6: {  	[tilespmem:s15+$0xFFFFFF30] =	vst v1;
	v1 =	vadd.s32 s14, v5;
	v5 =	vld [tilespmem:s15+$0xFFFFFF90]  }
0xc7: {  	[tilespmem:s15+$0xFFFFFF40] =	vst v1;
	v1 =	vadd.s32 s14, v6;
	v6 =	vld [tilespmem:s15+$0xFFFFFFA0]  }
0xc8: {  	[tilespmem:s15+$0xFFFFFF50] =	vst v1;
	v1 =	vadd.s32 s14, v2;
	v2 =	vld [tilespmem:s15+$0xFFFFFFB0]  }
0xc9: {  	[tilespmem:s15+$0xFFFFFF60] =	vst v1;
	v1 =	vadd.s32 s14, v3;
	v3 =	vld [tilespmem:s15+$0xFFFFFFC0]  }
0xca: {  	[tilespmem:s15+$0xFFFFFF70] =	vst v1;
	v1 =	vadd.s32 s14, v4;
	v4 =	vld [tilespmem:s15+$0xFFFFFFD0]  }
0xcb: {  	[tilespmem:s15+$0xFFFFFF80] =	vst v1;
	v1 =	vadd.s32 s14, v5;
	v5 =	vld [tilespmem:s15+$0xFFFFFFE0]  }
0xcc: {  	[tilespmem:s15+$0xFFFFFF90] =	vst v1;
	v1 =	vadd.s32 s14, v6;
	v6 =	vld [tilespmem:s15+$0x0]  }
0xcd: {  	[tilespmem:s15+$0xFFFFFFA0] =	vst v1;
	v1 =	vadd.s32 s14, v2;
	v2 =	vld [tilespmem:s15+$0x10]  }
0xce: {  	[tilespmem:s15+$0xFFFFFFB0] =	vst v1;
	v1 =	vadd.s32 s14, v3;
	v3 =	vld [tilespmem:s15+$0x20]  }
0xcf: {  	[tilespmem:s15+$0xFFFFFFC0] =	vst v1;
	v1 =	vadd.s32 s14, v4;
	v4 =	vld [tilespmem:s15+$0x30]  }
0xd0: {  	[tilespmem:s15+$0xFFFFFFD0] =	vst v1;
	v1 =	vadd.s32 s14, v5;
	v5 =	vld [tilespmem:s15+$0x40]  }
0xd1: {  	[tilespmem:s15+$0xFFFFFFE0] =	vst v1;
	v1 =	vadd.s32 s14, v6;
	v6 =	vld [tilespmem:s15+$0x50]  }
0xd2: {  	[tilespmem:s15+$0x0] =	vst v1;
	v1 =	vadd.s32 s14, v2;
	v2 =	vld [tilespmem:s15+$0x60]  }
0xd3: {  	[tilespmem:s15+$0x10] =	vst v1;
	v1 =	vadd.s32 s14, v3;
	v3 =	vld [tilespmem:s15+$0x70]  }
0xd4: {  	[tilespmem:s15+$0x20] =	vst v1;
	v1 =	vadd.s32 s14, v4;
	v4 =	vld [tilespmem:s15+$0x80]  }
0xd5: {  	[tilespmem:s15+$0x30] =	vst v1;
	v1 =	vadd.s32 s14, v5;
	v5 =	vld [tilespmem:s15+$0x90]  }
0xd6: {  	[tilespmem:s15+$0x40] =	vst v1;
	v1 =	vadd.s32 s14, v6;
	v6 =	vld [tilespmem:s15+$0xA0]  }
.Ltmp0:
0xd7: {  	[tilespmem:s15+$0x50] =	vst v1;
	v2 =	vadd.s32 s14, v2;
	v1 =	vld [tilespmem:s15+$0xB0];
	(pc) =	sbr.rel @p0 .LBB2_2-.Ltmp0, $4  }
0xd8: {  	[tilespmem:s15+$0x60] =	vst v2;
	v3 =	vadd.s32 s14, v3;
	v2 =	vld [tilespmem:s15+$0xC0]  }
0xd9: {  	[tilespmem:s15+$0x70] =	vst v3;
	v4 =	vadd.s32 s14, v4;
	v3 =	vld [tilespmem:s15+$0xD0]  }
0xda: {  	[tilespmem:s15+$0x80] =	vst v4;
	v5 =	vadd.s32 s14, v5;
	v4 =	vld [tilespmem:s15+$0xE0]  }
0xdb: {  	s14 =	sadd.s32 $0x9C40, s14;
	[tilespmem:s15+$0x90] =	vst v5;
	v6 =	vadd.s32 s13, v6;
	v5 =	vld [tilespmem:s15+$0xF0]  }
0xdc: {  	v7 =	vld [tilespmem:s12+$0xFFFFFFF0];
	[tilespmem:s12+$0xA0] =	vst v6;
	v1 =	vadd.s32 s13, v1  }
0xdd: {  	[tilespmem:s12+$0xB0] =	vst v1;
	v1 =	vadd.s32 s13, v2  }
0xde: {  	[tilespmem:s12+$0xC0] =	vst v1;
	v1 =	vadd.s32 s13, v3  }
0xdf: {  	[tilespmem:s12+$0xD0] =	vst v1;
	v1 =	vadd.s32 s13, v4  }
0xe0: {  	[tilespmem:s12+$0xE0] =	vst v1;
	v1 =	vadd.s32 s13, v5  }
0xe1: {  	v2 =	vadd.s32 s13, v7;
	[tilespmem:s12+$0xF0] =	vst v1  }
0xe2: {  	s14 =	simm.s32 $0x167E8;
	[tilespmem:s12+$0xFFFFFFF0] =	vst v2  }
0xe3: {  	s15 =	simm.s32 $0x167F8;
	s13 =	simm.s32 $0x10;
	s12 =	rddreg [dreg:$0x1];
	[tilespmem:$0x167E8] =	vst v0  }
0xe4: {  	[tilespmem:s15], [sflag:$0x1] =	stream.indirect.gather [hbm4b:s12+s13], $0x1, s14, s13, $0xb8;
	[tilespmem:$0x16808] =	vst v63  }
0xe5: {  	_ =	swait.ge [sflag:s8], $0x10  }
0xe6: {  	[sflag:s8] =	ssyncset.done $0x0  }
0xe7: {  	[sflag:s8] =	ssyncadd.s32 $0xFFFFFFF0  }
0xe8: {  	v1 =	vld [tilespmem:$0x167F8];
	_ =	swait.ge [sflag:s9], $0x1FBD  }
0xe9: {  	[sflag:s9] =	ssyncset.done $0x0  }
0xea: {  	[sflag:s9] =	ssyncadd.s32 $0xFFFFE043  }
0xeb: {  	[bflag:$0x0] =	sbarrier.arrive $0xFFFF  }
0xec: {  	s14 =	simm.s32 $0x3400;
	s15 =	simm.s32 $0x131E8;
	s13 =	rddreg [dreg:$0x3]  }
0xed: {  	[tilespmem:s15], [sflag:$0x1] =	stream.indirect.gather [spmem:s13], $0x1, s7, s14, $0xb8;
	[tilespmem:$0x16808] =	vst v63  }
0xee: {  	_ =	swait.ge [sflag:s8], $0x3400  }
0xef: {  	[sflag:s8] =	ssyncset.done $0x0  }
0xf0: {  	s13 =	simm.s32 $0x0;
	[sflag:s8] =	ssyncadd.s32 $0xFFFFCC00  }
0xf1: {  	v2 =	vld [tilespmem:s13+$0x131E8];
	_ =	sdelay $0x1  }
0xf2: {  	v3 =	vld [tilespmem:s13+$0x133E8];
	_ =	sdelay $0x1  }
0xf3: {  	v4 =	vld [tilespmem:s13+$0x135E8]  }
0xf4: {  	v2 =	vadd.f32 v2, v1  }
0xf5: {  	v5 =	vld [tilespmem:s13+$0x137E8]  }
0xf6: {  	v2 =	vadd.f32 v3, v2  }
0xf7: {  	v3 =	vld [tilespmem:s13+$0x139E8]  }
0xf8: {  	v2 =	vadd.f32 v4, v2  }
0xf9: {  	v4 =	vld [tilespmem:s13+$0x13BE8]  }
0xfa: {  	v2 =	vadd.f32 v5, v2  }
0xfb: {  	v5 =	vld [tilespmem:s13+$0x13DE8]  }
0xfc: {  	v2 =	vadd.f32 v3, v2  }
0xfd: {  	v3 =	vld [tilespmem:s13+$0x13FE8]  }
0xfe: {  	v2 =	vadd.f32 v4, v2  }
0xff: {  	v4 =	vld [tilespmem:s13+$0x141E8]  }
0x100: {  	v2 =	vadd.f32 v5, v2  }
0x101: {  	v5 =	vld [tilespmem:s13+$0x143E8]  }
0x102: {  	v2 =	vadd.f32 v3, v2  }
0x103: {  	v3 =	vld [tilespmem:s13+$0x145E8]  }
0x104: {  	v2 =	vadd.f32 v4, v2  }
0x105: {  	v4 =	vld [tilespmem:s13+$0x147E8]  }
0x106: {  	v2 =	vadd.f32 v5, v2  }
0x107: {  	s12 =	simm.s32 $0x10;
	v5 =	vld [tilespmem:s13+$0x149E8]  }
0x108: {  	v6 =	vld [tilespmem:s12+$0x131E8];
	v2 =	vadd.f32 v3, v2  }
0x109: {  	v3 =	vld [tilespmem:s13+$0x14BE8]  }
0x10a: {  	v7 =	vld [tilespmem:s12+$0x133E8];
	v2 =	vadd.f32 v4, v2  }
0x10b: {  	v4 =	vld [tilespmem:s13+$0x14DE8]  }
0x10c: {  	v8 =	vld [tilespmem:s12+$0x135E8];
	v2 =	vadd.f32 v5, v2  }
0x10d: {  	v5 =	vld [tilespmem:s13+$0x14FE8]  }
0x10e: {  	v9 =	vld [tilespmem:s12+$0x137E8];
	v6 =	vadd.f32 v6, v1;
	v2 =	vadd.f32 v3, v2  }
0x10f: {  	v3 =	vld [tilespmem:s13+$0x151E8]  }
0x110: {  	v6 =	vadd.f32 v7, v6;
	v7 =	vld [tilespmem:s12+$0x139E8];
	v2 =	vadd.f32 v4, v2  }
0x111: {  	v4 =	vld [tilespmem:s13+$0x153E8]  }
0x112: {  	v6 =	vadd.f32 v8, v6;
	v8 =	vld [tilespmem:s12+$0x13BE8];
	v2 =	vadd.f32 v5, v2  }
0x113: {  	v5 =	vld [tilespmem:s13+$0x155E8]  }
0x114: {  	v6 =	vadd.f32 v9, v6;
	v9 =	vld [tilespmem:s12+$0x13DE8];
	v2 =	vadd.f32 v3, v2  }
0x115: {  	v3 =	vld [tilespmem:s13+$0x157E8]  }
0x116: {  	v6 =	vadd.f32 v7, v6;
	v7 =	vld [tilespmem:s12+$0x13FE8];
	v2 =	vadd.f32 v4, v2  }
0x117: {  	v4 =	vld [tilespmem:s13+$0x159E8]  }
0x118: {  	v6 =	vadd.f32 v8, v6;
	v8 =	vld [tilespmem:s12+$0x141E8];
	v2 =	vadd.f32 v5, v2  }
0x119: {  	v5 =	vld [tilespmem:s13+$0x15BE8]  }
0x11a: {  	v6 =	vadd.f32 v9, v6;
	v9 =	vld [tilespmem:s12+$0x143E8];
	v2 =	vadd.f32 v3, v2  }
0x11b: {  	v3 =	vld [tilespmem:s13+$0x15DE8]  }
0x11c: {  	v10 =	vld [tilespmem:s13+$0x15FE8];
	v6 =	vadd.f32 v7, v6;
	v2 =	vadd.f32 v4, v2  }
0x11d: {  	v4 =	vld [tilespmem:s12+$0x145E8]  }
0x11e: {  	v6 =	vadd.f32 v8, v6;
	v7 =	vadd.f32 v5, v2;
	v2 =	vld [tilespmem:s13+$0x161E8]  }
0x11f: {  	v5 =	vld [tilespmem:s12+$0x147E8]  }
0x120: {  	v8 =	vadd.f32 v9, v6;
	v6 =	vld [tilespmem:s12+$0x149E8];
	v9 =	vadd.f32 v3, v7  }
0x121: {  	v3 =	vld [tilespmem:s13+$0x163E8]  }
0x122: {  	s14 =	simm.s32 $0x20;
	s15 =	simm.s32 $0xC0;
	v7 =	vadd.f32 v4, v8;
	v4 =	vld [tilespmem:s12+$0x14BE8];
	v8 =	vadd.f32 v10, v9  }
.LBB2_4:
0x123: {  	p0 =	sne.s32 s15, $0x7C0;
	v9 =	vld [tilespmem:s14+$0x131E8]  }
0x124: {  	v5 =	vadd.f32 v5, v7;
	v7 =	vld [tilespmem:s12+$0x14DE8];
	v2 =	vadd.f32 v2, v8  }
0x125: {  	v8 =	vld [tilespmem:s14+$0x133E8]  }
0x126: {  	v5 =	vadd.f32 v6, v5;
	v6 =	vld [tilespmem:s12+$0x14FE8];
	v2 =	vadd.f32 v3, v2  }
0x127: {  	v3 =	vld [tilespmem:s14+$0x135E8]  }
0x128: {  	v9 =	vadd.f32 v9, v1;
	v4 =	vadd.f32 v4, v5;
	v5 =	vld [tilespmem:s12+$0x151E8];
	[tilespmem:s13+$0x165E8] =	vst v2;
	s13 =	smov.u32 s12;
	s12 =	smov.u32 s14  }
0x129: {  	v2 =	vld [tilespmem:s12+$0x137E8]  }
0x12a: {  	v8 =	vadd.f32 v8, v9;
	v4 =	vadd.f32 v7, v4;
	v7 =	vld [tilespmem:s13+$0x153E8]  }
0x12b: {  	v9 =	vld [tilespmem:s12+$0x139E8]  }
0x12c: {  	v3 =	vadd.f32 v3, v8;
	v4 =	vadd.f32 v6, v4;
	v6 =	vld [tilespmem:s13+$0x155E8]  }
0x12d: {  	v8 =	vld [tilespmem:s12+$0x13BE8]  }
0x12e: {  	v2 =	vadd.f32 v2, v3;
	v3 =	vadd.f32 v5, v4;
	v4 =	vld [tilespmem:s13+$0x157E8]  }
0x12f: {  	v5 =	vld [tilespmem:s12+$0x13DE8]  }
0x130: {  	v2 =	vadd.f32 v9, v2;
	v3 =	vadd.f32 v7, v3;
	v7 =	vld [tilespmem:s13+$0x159E8]  }
0x131: {  	v9 =	vld [tilespmem:s12+$0x13FE8]  }
0x132: {  	v2 =	vadd.f32 v8, v2;
	v3 =	vadd.f32 v6, v3;
	v6 =	vld [tilespmem:s13+$0x15BE8]  }
0x133: {  	v8 =	vld [tilespmem:s12+$0x141E8]  }
0x134: {  	v2 =	vadd.f32 v5, v2;
	v3 =	vadd.f32 v4, v3;
	v4 =	vld [tilespmem:s13+$0x15DE8]  }
0x135: {  	v10 =	vld [tilespmem:s12+$0x143E8]  }
0x136: {  	v2 =	vadd.f32 v9, v2;
	v3 =	vadd.f32 v7, v3;
	v9 =	vld [tilespmem:s13+$0x15FE8]  }
0x137: {  	v7 =	vld [tilespmem:s12+$0x145E8]  }
.Ltmp1:
0x138: {  	v8 =	vadd.f32 v8, v2;
	v3 =	vadd.f32 v6, v3;
	v2 =	vld [tilespmem:s13+$0x161E8];
	(pc) =	sbr.rel @p0 .LBB2_4-.Ltmp1, $4  }
0x139: {  	v5 =	vld [tilespmem:s12+$0x147E8]  }
0x13a: {  	v8 =	vadd.f32 v10, v8;
	v10 =	vadd.f32 v4, v3;
	v3 =	vld [tilespmem:s13+$0x163E8]  }
0x13b: {  	v6 =	vld [tilespmem:s12+$0x149E8]  }
0x13c: {  	s14 =	sshra.s32 s15, $0x2;
	s15 =	sadd.s32 $0x40, s15;
	v7 =	vadd.f32 v7, v8;
	v4 =	vld [tilespmem:s12+$0x14BE8];
	v8 =	vadd.f32 v9, v10  }
0x13d: {  	v9 =	vld [tilespmem:s14+$0x131E8]  }
0x13e: {  	v10 =	vld [tilespmem:s12+$0x14DE8];
	v2 =	vadd.f32 v2, v8  }
0x13f: {  	v46 =	vld [tilespmem:s14+$0x133E8]  }
0x140: {  	v11 =	vld [tilespmem:s12+$0x14FE8];
	v5 =	vadd.f32 v5, v7;
	v2 =	vadd.f32 v3, v2  }
0x141: {  	v3 =	vld [tilespmem:s14+$0x135E8]  }
0x142: {  	v47 =	vld [tilespmem:s12+$0x151E8];
	v5 =	vadd.f32 v6, v5;
	v1 =	vadd.f32 v9, v1;
	[tilespmem:s13+$0x165E8] =	vst v2  }
0x143: {  	v2 =	vld [tilespmem:s14+$0x137E8]  }
0x144: {  	v4 =	vadd.f32 v4, v5;
	v1 =	vadd.f32 v46, v1  }
0x145: {  	v48 =	vld [tilespmem:s14+$0x139E8]  }
0x146: {  	v49 =	vld [tilespmem:s12+$0x153E8];
	v4 =	vadd.f32 v10, v4;
	v1 =	vadd.f32 v3, v1  }
0x147: {  	v3 =	vld [tilespmem:s14+$0x13BE8]  }
0x148: {  	v50 =	vld [tilespmem:s12+$0x155E8];
	v4 =	vadd.f32 v11, v4;
	v1 =	vadd.f32 v2, v1  }
0x149: {  	v2 =	vld [tilespmem:s14+$0x13DE8]  }
0x14a: {  	v51 =	vld [tilespmem:s12+$0x157E8];
	v4 =	vadd.f32 v47, v4;
	v1 =	vadd.f32 v48, v1  }
0x14b: {  	v52 =	vld [tilespmem:s14+$0x13FE8]  }
0x14c: {  	v53 =	vld [tilespmem:s12+$0x159E8];
	v4 =	vadd.f32 v49, v4;
	v1 =	vadd.f32 v3, v1  }
0x14d: {  	v3 =	vld [tilespmem:s14+$0x141E8]  }
0x14e: {  	v54 =	vld [tilespmem:s12+$0x15BE8];
	v4 =	vadd.f32 v50, v4;
	v1 =	vadd.f32 v2, v1  }
0x14f: {  	v2 =	vld [tilespmem:s14+$0x143E8]  }
0x150: {  	v55 =	vld [tilespmem:s12+$0x15DE8];
	v4 =	vadd.f32 v51, v4;
	v1 =	vadd.f32 v52, v1  }
0x151: {  	v56 =	vld [tilespmem:s14+$0x145E8]  }
0x152: {  	v57 =	vld [tilespmem:s12+$0x15FE8];
	v4 =	vadd.f32 v53, v4;
	v1 =	vadd.f32 v3, v1  }
0x153: {  	v3 =	vld [tilespmem:s14+$0x147E8]  }
0x154: {  	v58 =	vld [tilespmem:s12+$0x161E8];
	v4 =	vadd.f32 v54, v4;
	v1 =	vadd.f32 v2, v1  }
0x155: {  	v2 =	vld [tilespmem:s14+$0x149E8]  }
0x156: {  	v59 =	vld [tilespmem:s12+$0x163E8];
	v4 =	vadd.f32 v55, v4;
	v1 =	vadd.f32 v56, v1  }
0x157: {  	v60 =	vld [tilespmem:s14+$0x14BE8]  }
0x158: {  	v4 =	vadd.f32 v57, v4;
	v1 =	vadd.f32 v3, v1  }
0x159: {  	v3 =	vld [tilespmem:s14+$0x14DE8]  }
0x15a: {  	v4 =	vadd.f32 v58, v4;
	v1 =	vadd.f32 v2, v1  }
0x15b: {  	v2 =	vld [tilespmem:s14+$0x14FE8]  }
0x15c: {  	v4 =	vadd.f32 v59, v4;
	v1 =	vadd.f32 v60, v1  }
0x15d: {  	v61 =	vld [tilespmem:s14+$0x151E8]  }
0x15e: {  	[tilespmem:s12+$0x165E8] =	vst v4;
	v1 =	vadd.f32 v3, v1  }
0x15f: {  	v3 =	vld [tilespmem:s14+$0x153E8]  }
0x160: {  	v1 =	vadd.f32 v2, v1  }
0x161: {  	v2 =	vld [tilespmem:s14+$0x155E8]  }
0x162: {  	v1 =	vadd.f32 v61, v1  }
0x163: {  	v4 =	vld [tilespmem:s14+$0x157E8]  }
0x164: {  	v1 =	vadd.f32 v3, v1  }
0x165: {  	v3 =	vld [tilespmem:s14+$0x159E8]  }
0x166: {  	v1 =	vadd.f32 v2, v1  }
0x167: {  	v2 =	vld [tilespmem:s14+$0x15BE8]  }
0x168: {  	v1 =	vadd.f32 v4, v1  }
0x169: {  	v62 =	vld [tilespmem:s14+$0x15DE8]  }
0x16a: {  	v1 =	vadd.f32 v3, v1  }
0x16b: {  	v3 =	vld [tilespmem:s14+$0x15FE8]  }
0x16c: {  	v1 =	vadd.f32 v2, v1  }
0x16d: {  	v2 =	vld [tilespmem:s14+$0x161E8]  }
0x16e: {  	v1 =	vadd.f32 v62, v1  }
0x16f: {  	v63 =	vld [tilespmem:s14+$0x163E8]  }
0x170: {  	v1 =	vadd.f32 v3, v1;
	_ =	sdelay $0x1  }
0x171: {  	v1 =	vadd.f32 v2, v1;
	_ =	sdelay $0x1  }
0x172: {  	s11 =	sadd.s32 $0x1, s11;
	v1 =	vadd.f32 v63, v1  }
0x173: {  	p0 =	sne.s32 s11, s24  }
.Ltmp2:
0x174: {  	s15 =	simm.s32 $0x165E8;
	[tilespmem:s14+$0x165E8] =	vst v1;
	(pc) =	sbr.rel @p0 .LBB2_1-.Ltmp2, $4  }
0x175: {  	[hbm4b:s22+s4] =	stream.linear.scatter [tilespmem:s15], [sflag:$0x3], $0x200, $0x38;
	[tilespmem:$0x16808] =	vst v63  }
0x176: {  	_ =	swait.ge [sflag:s10], $0x200  }
0x177: {  	[sflag:s10] =	ssyncset.done $0x0  }
0x178: {  	[sflag:s10] =	ssyncadd.s32 $0xFFFFFE00  }
0x179: {  	_ =	sfence.sel $0x180000  }
0x17a: {  	[bflag:$0x0] =	sbarrier.arrive $0xFFFF  }
0x17b: {  	_ =	strace $0x90000047  }
0x17c: {  	s0 =	stileid.u32;
	[bflag:$0x2] =	sbarrier.arrive $0xFFFF  }
0x17d: {  	p0 =	sne.s32 s0, $0x0;
	s0 =	rddreg [dreg:$0x4]  }
0x17e: {  	s0 =	sadd.s32 @!p0 $0x100000, s0  }
0x17f: {  	[sflag:s0] =	ssyncadd.tile.s32 @!p0 $0x1;
	_ =	shalt  }
.Lfunc_end2:
_tile_overlayer_lowered:
.L_overlay_start_2:
0x180: {  	(tag) =	ssettag $0x2  }
0x181: {  	s0 =	rddreg [dreg:$0x0];
	s2 =	stileid.u32  }
0x182: {  	s1 =	rddreg [dreg:$0x1];
	p0 =	sne.s32 s2, $0x0  }
0x183: {  	s3 =	rddreg [dreg:$0x2];
	[bflag:$0x3] =	sbarrier.arrive $0xFFFF;
	s2 =	simm.s32 @!p0 $0x1C03  }
0x184: {  	[timem:s3], [sflag:s2] =	dma.local @!p0 [hbm:s0], s1  }
0x185: {  	s0 =	simm.s32 @!p0 $0x3  }
0x186: {  	_ =	swait.ge @!p0 [sflag:s0], s1  }
0x187: {  	s1 =	ssub.s32 @!p0 $0x0, s1;
	[sflag:s0] =	ssyncset.done @!p0 $0x0  }
0x188: {  	[sflag:s0] =	ssyncadd.s32 @!p0 s1  }
0x189: {  	[bflag:$0x3] =	sbarrier.arrive $0xFFFF  }
0x18a: {  	_ =	shalt  }

</sc_bundles>
